<compile_context>
chip_gen: v7x
topology: tpu7x:2x2x1
jax: 0.10.2.dev20260603
libtpu: 0.0.44.dev20260713+nightly
codegen_flags: <defaults>
</compile_context>

<pallas_src>
import jax
import jax.numpy as jnp
from jax import lax
from jax.experimental import pallas as pl
from jax.experimental.pallas import tpu as pltpu
from jax.experimental.pallas import tpu_sc as plsc

THETA = 180
LANES = 16
NGROUPS = 12
H = W = 384
NPIX = H * W
BATCH = 2
N_RHO = 1088
RHO_OFF = float(N_RHO // 2)
ACTIVE = BATCH * NGROUPS
CHUNK_ROWS = 32
CHUNK = CHUNK_ROWS * W
NCHUNKS = H // CHUNK_ROWS
XU = 4
TOTAL_BINS = float(BATCH * THETA * N_RHO)


def _sc_body(pred_hbm, tgt_hbm, cos_hbm, sin_hbm, out_hbm,
             pred_buf, tgt_buf, d_buf, cbuf, sbuf, xc_tab, pbuf, acc):
    wid = lax.axis_index("s") * 2 + lax.axis_index("c")
    lane = lax.broadcasted_iota(jnp.int32, (LANES,), 0)
    lanebase = lane * N_RHO
    zero_v = jnp.zeros((LANES,), jnp.float32)

    pbuf[...] = zero_v

    @pl.when(wid < ACTIVE)
    def _():
        b = wid // NGROUPS
        g = wid % NGROUPS
        pltpu.sync_copy(cos_hbm.at[pl.ds(g * LANES, LANES)], cbuf)
        pltpu.sync_copy(sin_hbm.at[pl.ds(g * LANES, LANES)], sbuf)
        c_v = cbuf[...]
        s_v = sbuf[...]

        def tbody(x, xf):
            xc_tab[pl.ds(x * LANES, LANES)] = c_v * xf
            return xf + 1.0
        lax.fori_loop(0, W, tbody, jnp.float32(0.0))

        def zbody(j, _):
            acc[pl.ds(j * LANES, LANES)] = zero_v
            return 0
        lax.fori_loop(0, LANES * N_RHO // LANES, zbody, 0)

        def chunk_body(ck, yf0):
            off = b * NPIX + ck * CHUNK
            pltpu.sync_copy(pred_hbm.at[pl.ds(off, CHUNK)], pred_buf)
            pltpu.sync_copy(tgt_hbm.at[pl.ds(off, CHUNK)], tgt_buf)

            def dbody(i, _):
                pv = pred_buf[pl.ds(i * LANES, LANES)]
                tv = tgt_buf[pl.ds(i * LANES, LANES)]
                d_buf[pl.ds(i * LANES, LANES)] = (
                    jnp.where(pv > 0.5, 1.0, 0.0)
                    - jnp.where(tv > 0.5, 1.0, 0.0))
                return 0
            lax.fori_loop(0, CHUNK // LANES, dbody, 0)

            def row_body(r, yf):
                sy_v = s_v * yf

                @plsc.parallel_loop(0, W // LANES, unroll=2)
                def x_body(i):
                    dv = d_buf[pl.ds(r * W + i * LANES, LANES)]
                    for k in range(LANES):
                        xc = xc_tab[pl.ds(i * (LANES * LANES) + k * LANES,
                                          LANES)]
                        rho = (xc + sy_v) + RHO_OFF
                        plsc.addupdate_scatter(
                            acc, [lanebase + rho.astype(jnp.int32)],
                            jnp.full((LANES,), dv[k]))
                return yf + 1.0
            yf1 = lax.fori_loop(0, CHUNK_ROWS, row_body, yf0)
            return yf1
        lax.fori_loop(0, NCHUNKS, chunk_body, jnp.float32(0.0))

        def lrow(r, _):
            def lcol(cc, pv):
                return pv + jnp.abs(acc[pl.ds(r * N_RHO + cc * LANES, LANES)])
            prow = lax.fori_loop(0, N_RHO // LANES, lcol, zero_v)
            scale = jnp.where(g * LANES + r < THETA, 1.0, 0.0)
            pbuf[...] = pbuf[...] + prow * scale
            return 0
        lax.fori_loop(0, LANES, lrow, 0)

    pltpu.sync_copy(pbuf, out_hbm.at[pl.ds(wid * LANES, LANES)])


def kernel(pred_probs, target_mask):
    thetas = jnp.linspace(0.0, jnp.pi, THETA, dtype=jnp.float32)
    pad = jnp.zeros((NGROUPS * LANES - THETA,), jnp.float32)
    cos_p = jnp.concatenate([jnp.cos(thetas), pad])
    sin_p = jnp.concatenate([jnp.sin(thetas), pad])
    pred = pred_probs.reshape(-1)
    tgt = target_mask.reshape(-1)

    mesh = plsc.VectorSubcoreMesh(core_axis_name="c", subcore_axis_name="s")
    partials = pl.kernel(
        _sc_body,
        out_type=jax.ShapeDtypeStruct((32 * LANES,), jnp.float32),
        mesh=mesh,
        compiler_params=pltpu.CompilerParams(needs_layout_passes=False),
        scratch_types=[
            pltpu.VMEM((CHUNK,), jnp.float32),
            pltpu.VMEM((CHUNK,), jnp.float32),
            pltpu.VMEM((CHUNK,), jnp.float32),
            pltpu.VMEM((LANES,), jnp.float32),
            pltpu.VMEM((LANES,), jnp.float32),
            pltpu.VMEM((W * LANES,), jnp.float32),
            pltpu.VMEM((LANES,), jnp.float32),
            pltpu.VMEM((LANES * N_RHO,), jnp.float32),
        ],
    )(pred, tgt, cos_p, sin_p)
    return partials.sum() / TOTAL_BINS

# --- scband reference (transcript-rebuilt; emitter-appended) ---
"""Pipeline reference for scband-hough-loss-41257455846112 (READ-ONLY COPY).

The authoritative reference and input builder live on the scoring server;
editing this copy changes nothing except your own understanding.
"""

import jax, jax.numpy as jnp
import numpy as np

THETA_BINS = 180


def _hough(image, cos_t, sin_t):
    # image: (B, 1, H, W) float32
    B, _, H, W = image.shape
    n_rho = int(np.ceil(np.sqrt(H ** 2 + W ** 2))) * 2
    weight = (image[:, 0] > 0.5).astype(jnp.float32)  # (B, H, W)
    yf, xf = jnp.meshgrid(jnp.arange(H, dtype=jnp.float32),
                          jnp.arange(W, dtype=jnp.float32), indexing="ij")
    rho = xf[:, :, None] * cos_t[None, None, :] + yf[:, :, None] * sin_t[None, None, :]
    rho_idx = (rho + (n_rho // 2)).astype(jnp.int32)  # truncation toward zero, values positive -> matches torch .long()
    theta_idx = jnp.arange(THETA_BINS, dtype=jnp.int32)
    b_idx = jnp.arange(B, dtype=jnp.int32)
    flat = (b_idx[:, None, None, None] * (THETA_BINS * n_rho)
            + theta_idx[None, None, None, :] * n_rho
            + rho_idx[None, :, :, :])  # (B, H, W, THETA_BINS)
    w = jnp.broadcast_to(weight[:, :, :, None], flat.shape)
    acc_flat = jnp.zeros(B * THETA_BINS * n_rho, dtype=jnp.float32)
    acc_flat = acc_flat.at[flat.reshape(-1)].add(w.reshape(-1))
    return acc_flat.reshape(B, THETA_BINS, n_rho), weight


def setup_inputs(seed: int = 0) -> dict:
    key = jax.random.key(seed)
    k1, k2 = jax.random.split(key)
    pred_probs = jax.random.uniform(k1, (2, 1, 384, 384), dtype=jnp.float32)
    target_mask = jax.random.uniform(k2, (2, 1, 384, 384), dtype=jnp.float32)
    return {"pred_probs": pred_probs, "target_mask": target_mask}


def reference(pred_probs, target_mask):
    thetas = jnp.linspace(0.0, jnp.pi, THETA_BINS, dtype=jnp.float32)
    cos_t = jnp.cos(thetas)
    sin_t = jnp.sin(thetas)
    pred_mask = (pred_probs > 0.5).astype(jnp.float32)
    acc_pred, _ = _hough(pred_mask, cos_t, sin_t)
    acc_tgt, _ = _hough(target_mask, cos_t, sin_t)
    loss = jnp.abs(acc_pred - acc_tgt).mean()
    return loss

if __name__ == "__main__":
    import jax
    _d = setup_inputs()
    print(jax.jit(kernel)(*tuple(_d.values())))

</pallas_src>

<mosaic_0001>
#map = affine_map<(d0, d1) -> (0)>
module attributes {stable_mosaic.version = 14 : i64} {
  func.func @_sc_body(%arg0: i32, %arg1: i32, %arg2: memref<294912xf32, #tpu.memory_space<hbm>>, %arg3: memref<294912xf32, #tpu.memory_space<hbm>>, %arg4: memref<192xf32, #tpu.memory_space<hbm>>, %arg5: memref<192xf32, #tpu.memory_space<hbm>>, %arg6: memref<512xf32, #tpu.memory_space<hbm>>, %arg7: memref<12288xf32, #tpu.memory_space<vmem>>, %arg8: memref<12288xf32, #tpu.memory_space<vmem>>, %arg9: memref<12288xf32, #tpu.memory_space<vmem>>, %arg10: memref<16xf32, #tpu.memory_space<vmem>>, %arg11: memref<16xf32, #tpu.memory_space<vmem>>, %arg12: memref<6144xf32, #tpu.memory_space<vmem>>, %arg13: memref<16xf32, #tpu.memory_space<vmem>>, %arg14: memref<17408xf32, #tpu.memory_space<vmem>>) attributes {dimension_semantics = [#tpu.dimension_semantics<core_parallel>, #tpu.dimension_semantics<subcore_parallel>], iteration_bounds = array<i64: 2, 16>, scalar_prefetch = 0 : i64, scratch_operands = 8 : i64, tpu.core_type = #tpu.core_type<sc_vector_subcore>, window_params = [{transform_indices = #map}, {transform_indices = #map}, {transform_indices = #map}, {transform_indices = #map}, {transform_indices = #map}]} {
    %mul3A = arith.constant 2 : i32
    %mul3A_0 = arith.muli %arg1, %mul3A : i32
    %add3A = arith.addi %mul3A_0, %arg0 : i32
    %iota3A = tpu.iota {dimensions = array<i32: 0>} : vector<16xi32>
    %mul3A_1 = arith.constant 1088 : i32
    %mul3A_2 = vector.broadcast %mul3A_1 : i32 to vector<16xi32>
    %mul3A_3 = arith.muli %iota3A, %mul3A_2 : vector<16xi32>
    %broadcast_in_dim3A = arith.constant 0.000000e+00 : f32
    %broadcast_in_dim3A_4 = vector.broadcast %broadcast_in_dim3A : f32 to vector<16xf32>
    %swap3A = arith.constant 0 : index
    %swap3A_5 = tpu.vector_load %arg13[%swap3A] {strides = array<i32>} : memref<16xf32, #tpu.memory_space<vmem>>, vector<16xf32>,
    tpu.vector_store %arg13[%swap3A], %broadcast_in_dim3A_4 {strides = array<i32>} : memref<16xf32, #tpu.memory_space<vmem>>, vector<16xf32>,
    %lt3A = arith.constant 24 : i32
    %lt3A_6 = arith.cmpi slt, %add3A, %lt3A : i32
    %convert_element_type3A = arith.extui %lt3A_6 : i1 to i32
    %cond3A = arith.constant 0 : i32
    %cond3A_7 = arith.cmpi ne, %convert_element_type3A, %cond3A : i32
    scf.if %cond3A_7 {
      %jit3A = arith.constant 12 : i32
      %div3A = arith.divsi %add3A, %jit3A : i32
      %sign3A = arith.constant 0 : i32
      %sign3A_10 = arith.cmpi sgt, %add3A, %sign3A : i32
      %sign3A_11 = arith.extui %sign3A_10 : i1 to i32
      %sign3A_12 = arith.constant 0 : i32
      %sign3A_13 = arith.cmpi slt, %add3A, %sign3A_12 : i32
      %sign3A_14 = arith.extui %sign3A_13 : i1 to i32
      %sign3A_15 = arith.subi %sign3A_11, %sign3A_14 : i32
      %sign3A_16 = arith.constant 0 : i32
      %sign3A_17 = arith.cmpi sgt, %jit3A, %sign3A_16 : i32
      %sign3A_18 = arith.extui %sign3A_17 : i1 to i32
      %sign3A_19 = arith.constant 0 : i32
      %sign3A_20 = arith.cmpi slt, %jit3A, %sign3A_19 : i32
      %sign3A_21 = arith.extui %sign3A_20 : i1 to i32
      %sign3A_22 = arith.subi %sign3A_18, %sign3A_21 : i32
      %ne3A = arith.cmpi ne, %sign3A_15, %sign3A_22 : i32
      %rem3A = arith.remsi %add3A, %jit3A : i32
      %ne3A_23 = arith.constant 0 : i32
      %ne3A_24 = arith.cmpi ne, %rem3A, %ne3A_23 : i32
      %and3A = arith.andi %ne3A, %ne3A_24 : i1
      %sub3A = arith.constant 1 : i32
      %sub3A_25 = arith.subi %div3A, %sub3A : i32
      %select_n3A = arith.select %and3A, %sub3A_25, %div3A : i32
      %jit3A_26 = arith.constant 12 : i32
      %eq3A = arith.constant 0 : i32
      %eq3A_27 = arith.cmpi eq, %jit3A_26, %eq3A : i32
      %jit3A_28 = arith.constant 1 : i32
      %select_n3A_29 = arith.select %eq3A_27, %jit3A_28, %jit3A_26 : i32
      %rem3A_30 = arith.remsi %add3A, %select_n3A_29 : i32
      %ne3A_31 = arith.constant 0 : i32
      %ne3A_32 = arith.cmpi ne, %rem3A_30, %ne3A_31 : i32
      %lt3A_33 = arith.constant 0 : i32
      %lt3A_34 = arith.cmpi slt, %rem3A_30, %lt3A_33 : i32
      %lt3A_35 = arith.constant 0 : i32
      %lt3A_36 = arith.cmpi slt, %select_n3A_29, %lt3A_35 : i32
      %ne3A_37 = arith.xori %lt3A_34, %lt3A_36 : i1
      %and3A_38 = arith.andi %ne3A_37, %ne3A_32 : i1
      %add3A_39 = arith.addi %rem3A_30, %select_n3A_29 : i32
      %select_n3A_40 = arith.select %and3A_38, %add3A_39, %rem3A_30 : i32
      %mul3A_41 = arith.constant 16 : i32
      %mul3A_42 = arith.muli %select_n3A_40, %mul3A_41 : i32
      "tpu.region"() ({
        %run_scoped3A = tpu.sem_alloc : memref<!tpu.dma_semaphore, #tpu.memory_space<semaphore_mem>>
        %dma_start3A = tpu.memref_slice %arg4[%mul3A_42] : memref<192xf32, #tpu.memory_space<hbm>> -> memref<16xf32, #tpu.memory_space<hbm>>
        %dma_start3A_75 = tpu.memref_slice %arg4[%mul3A_42] : memref<192xf32, #tpu.memory_space<hbm>> -> memref<16xf32, #tpu.memory_space<hbm>>
        tpu.enqueue_dma source(%dma_start3A_75 : memref<16xf32, #tpu.memory_space<hbm>>) target(%arg10 : memref<16xf32, #tpu.memory_space<vmem>>) target_semaphore(%run_scoped3A : memref<!tpu.dma_semaphore, #tpu.memory_space<semaphore_mem>>)
        %dma_wait3A = tpu.memref_slice %arg4[%mul3A_42] : memref<192xf32, #tpu.memory_space<hbm>> -> memref<16xf32, #tpu.memory_space<hbm>>
        %dma_wait3A_76 = tpu.memref_slice %arg4[%mul3A_42] : memref<192xf32, #tpu.memory_space<hbm>> -> memref<16xf32, #tpu.memory_space<hbm>>
        tpu.wait_dma2 semaphore(%run_scoped3A : memref<!tpu.dma_semaphore, #tpu.memory_space<semaphore_mem>>) src(%dma_wait3A_76 : memref<16xf32, #tpu.memory_space<hbm>>) dst(%arg10 : memref<16xf32, #tpu.memory_space<vmem>>)
        tpu.yield
      }) : () -> ()
      %mul3A_43 = arith.constant 16 : i32
      %mul3A_44 = arith.muli %select_n3A_40, %mul3A_43 : i32
      "tpu.region"() ({
        %run_scoped3A = tpu.sem_alloc : memref<!tpu.dma_semaphore, #tpu.memory_space<semaphore_mem>>
        %dma_start3A = tpu.memref_slice %arg5[%mul3A_44] : memref<192xf32, #tpu.memory_space<hbm>> -> memref<16xf32, #tpu.memory_space<hbm>>
        %dma_start3A_75 = tpu.memref_slice %arg5[%mul3A_44] : memref<192xf32, #tpu.memory_space<hbm>> -> memref<16xf32, #tpu.memory_space<hbm>>
        tpu.enqueue_dma source(%dma_start3A_75 : memref<16xf32, #tpu.memory_space<hbm>>) target(%arg11 : memref<16xf32, #tpu.memory_space<vmem>>) target_semaphore(%run_scoped3A : memref<!tpu.dma_semaphore, #tpu.memory_space<semaphore_mem>>)
        %dma_wait3A = tpu.memref_slice %arg5[%mul3A_44] : memref<192xf32, #tpu.memory_space<hbm>> -> memref<16xf32, #tpu.memory_space<hbm>>
        %dma_wait3A_76 = tpu.memref_slice %arg5[%mul3A_44] : memref<192xf32, #tpu.memory_space<hbm>> -> memref<16xf32, #tpu.memory_space<hbm>>
        tpu.wait_dma2 semaphore(%run_scoped3A : memref<!tpu.dma_semaphore, #tpu.memory_space<semaphore_mem>>) src(%dma_wait3A_76 : memref<16xf32, #tpu.memory_space<hbm>>) dst(%arg11 : memref<16xf32, #tpu.memory_space<vmem>>)
        tpu.yield
      }) : () -> ()
      %get3A = arith.constant 0 : index
      %get3A_45 = tpu.vector_load %arg10[%get3A] {strides = array<i32>} : memref<16xf32, #tpu.memory_space<vmem>>, vector<16xf32>,
      %get3A_46 = arith.constant 0 : index
      %get3A_47 = tpu.vector_load %arg11[%get3A_46] {strides = array<i32>} : memref<16xf32, #tpu.memory_space<vmem>>, vector<16xf32>,
      %scan3A = arith.constant 0.000000e+00 : f32
      %scan3A_48 = arith.constant 0 : i32
      %scan3A_49 = arith.constant 384 : i32
      %scan3A_50 = arith.addi %scan3A_48, %scan3A_49 : i32
      %scan3A_51 = arith.constant 1 : i32
      %scan3A_52 = scf.for %scan3A_75 = %scan3A_48 to %scan3A_50 step %scan3A_51 iter_args(%scan3A_76 = %scan3A) -> (f32)  : i32 {
        %mul3A_77 = vector.broadcast %scan3A_76 : f32 to vector<16xf32>
        %mul3A_78 = arith.mulf %get3A_45, %mul3A_77 : vector<16xf32>
        %mul3A_79 = arith.constant 16 : i32
        %mul3A_80 = arith.muli %scan3A_75, %mul3A_79 : i32
        %swap3A_81 = arith.index_cast %mul3A_80 : i32 to index
        %swap3A_82 = tpu.vector_load %arg12[%swap3A_81] {strides = array<i32>} : memref<6144xf32, #tpu.memory_space<vmem>>, vector<16xf32>,
        tpu.vector_store %arg12[%swap3A_81], %mul3A_78 {strides = array<i32>} : memref<6144xf32, #tpu.memory_space<vmem>>, vector<16xf32>,
        %add3A_83 = arith.constant 1.000000e+00 : f32
        %add3A_84 = arith.addf %scan3A_76, %add3A_83 : f32
        scf.yield %add3A_84 : f32
      }
      %scan3A_53 = arith.constant 384 : i32
      %scan3A_54 = arith.constant 0 : i32
      %scan3A_55 = arith.constant 0 : i32
      %scan3A_56 = arith.constant 1088 : i32
      %scan3A_57 = arith.addi %scan3A_55, %scan3A_56 : i32
      %scan3A_58 = arith.constant 1 : i32
      %scan3A_59 = scf.for %scan3A_75 = %scan3A_55 to %scan3A_57 step %scan3A_58 iter_args(%scan3A_76 = %scan3A_54) -> (i32)  : i32 {
        %mul3A_77 = arith.constant 16 : i32
        %mul3A_78 = arith.muli %scan3A_75, %mul3A_77 : i32
        %swap3A_79 = arith.index_cast %mul3A_78 : i32 to index
        %swap3A_80 = tpu.vector_load %arg14[%swap3A_79] {strides = array<i32>} : memref<17408xf32, #tpu.memory_space<vmem>>, vector<16xf32>,
        tpu.vector_store %arg14[%swap3A_79], %broadcast_in_dim3A_4 {strides = array<i32>} : memref<17408xf32, #tpu.memory_space<vmem>>, vector<16xf32>,
        %scan3A_81 = arith.constant 0 : i32
        scf.yield %scan3A_81 : i32
      }
      %scan3A_60 = arith.constant 1088 : i32
      %scan3A_61 = arith.constant 0.000000e+00 : f32
      %scan3A_62 = arith.constant 0 : i32
      %scan3A_63 = arith.constant 12 : i32
      %scan3A_64 = arith.addi %scan3A_62, %scan3A_63 : i32
      %scan3A_65 = arith.constant 1 : i32
      %scan3A_66 = scf.for %scan3A_75 = %scan3A_62 to %scan3A_64 step %scan3A_65 iter_args(%scan3A_76 = %scan3A_61) -> (f32)  : i32 {
        %mul3A_77 = arith.constant 147456 : i32
        %mul3A_78 = arith.muli %select_n3A, %mul3A_77 : i32
        %mul3A_79 = arith.constant 12288 : i32
        %mul3A_80 = arith.muli %scan3A_75, %mul3A_79 : i32
        %add3A_81 = arith.addi %mul3A_78, %mul3A_80 : i32
        "tpu.region"() ({
          %run_scoped3A = tpu.sem_alloc : memref<!tpu.dma_semaphore, #tpu.memory_space<semaphore_mem>>
          %dma_start3A = tpu.memref_slice %arg2[%add3A_81] : memref<294912xf32, #tpu.memory_space<hbm>> -> memref<12288xf32, #tpu.memory_space<hbm>>
          %dma_start3A_95 = tpu.memref_slice %arg2[%add3A_81] : memref<294912xf32, #tpu.memory_space<hbm>> -> memref<12288xf32, #tpu.memory_space<hbm>>
          tpu.enqueue_dma source(%dma_start3A_95 : memref<12288xf32, #tpu.memory_space<hbm>>) target(%arg7 : memref<12288xf32, #tpu.memory_space<vmem>>) target_semaphore(%run_scoped3A : memref<!tpu.dma_semaphore, #tpu.memory_space<semaphore_mem>>)
          %dma_wait3A = tpu.memref_slice %arg2[%add3A_81] : memref<294912xf32, #tpu.memory_space<hbm>> -> memref<12288xf32, #tpu.memory_space<hbm>>
          %dma_wait3A_96 = tpu.memref_slice %arg2[%add3A_81] : memref<294912xf32, #tpu.memory_space<hbm>> -> memref<12288xf32, #tpu.memory_space<hbm>>
          tpu.wait_dma2 semaphore(%run_scoped3A : memref<!tpu.dma_semaphore, #tpu.memory_space<semaphore_mem>>) src(%dma_wait3A_96 : memref<12288xf32, #tpu.memory_space<hbm>>) dst(%arg7 : memref<12288xf32, #tpu.memory_space<vmem>>)
          tpu.yield
        }) : () -> ()
        "tpu.region"() ({
          %run_scoped3A = tpu.sem_alloc : memref<!tpu.dma_semaphore, #tpu.memory_space<semaphore_mem>>
          %dma_start3A = tpu.memref_slice %arg3[%add3A_81] : memref<294912xf32, #tpu.memory_space<hbm>> -> memref<12288xf32, #tpu.memory_space<hbm>>
          %dma_start3A_95 = tpu.memref_slice %arg3[%add3A_81] : memref<294912xf32, #tpu.memory_space<hbm>> -> memref<12288xf32, #tpu.memory_space<hbm>>
          tpu.enqueue_dma source(%dma_start3A_95 : memref<12288xf32, #tpu.memory_space<hbm>>) target(%arg8 : memref<12288xf32, #tpu.memory_space<vmem>>) target_semaphore(%run_scoped3A : memref<!tpu.dma_semaphore, #tpu.memory_space<semaphore_mem>>)
          %dma_wait3A = tpu.memref_slice %arg3[%add3A_81] : memref<294912xf32, #tpu.memory_space<hbm>> -> memref<12288xf32, #tpu.memory_space<hbm>>
          %dma_wait3A_96 = tpu.memref_slice %arg3[%add3A_81] : memref<294912xf32, #tpu.memory_space<hbm>> -> memref<12288xf32, #tpu.memory_space<hbm>>
          tpu.wait_dma2 semaphore(%run_scoped3A : memref<!tpu.dma_semaphore, #tpu.memory_space<semaphore_mem>>) src(%dma_wait3A_96 : memref<12288xf32, #tpu.memory_space<hbm>>) dst(%arg8 : memref<12288xf32, #tpu.memory_space<vmem>>)
          tpu.yield
        }) : () -> ()
        %scan3A_82 = arith.constant 0 : i32
        %scan3A_83 = arith.constant 0 : i32
        %scan3A_84 = arith.constant 768 : i32
        %scan3A_85 = arith.addi %scan3A_83, %scan3A_84 : i32
        %scan3A_86 = arith.constant 1 : i32
        %scan3A_87 = scf.for %scan3A_95 = %scan3A_83 to %scan3A_85 step %scan3A_86 iter_args(%scan3A_96 = %scan3A_82) -> (i32)  : i32 {
          %mul3A_97 = arith.constant 16 : i32
          %mul3A_98 = arith.muli %scan3A_95, %mul3A_97 : i32
          %get3A_99 = arith.index_cast %mul3A_98 : i32 to index
          %get3A_100 = tpu.vector_load %arg7[%get3A_99] {strides = array<i32>} : memref<12288xf32, #tpu.memory_space<vmem>>, vector<16xf32>,
          %mul3A_101 = arith.constant 16 : i32
          %mul3A_102 = arith.muli %scan3A_95, %mul3A_101 : i32
          %get3A_103 = arith.index_cast %mul3A_102 : i32 to index
          %get3A_104 = tpu.vector_load %arg8[%get3A_103] {strides = array<i32>} : memref<12288xf32, #tpu.memory_space<vmem>>, vector<16xf32>,
          %gt3A = arith.constant 5.000000e-01 : f32
          %gt3A_105 = vector.broadcast %gt3A : f32 to vector<16xf32>
          %gt3A_106 = arith.cmpf ogt, %get3A_100, %gt3A_105 : vector<16xf32>
          %jit3A_107 = arith.constant 1.000000e+00 : f32
          %jit3A_108 = arith.constant 0.000000e+00 : f32
          %broadcast_in_dim3A_109 = vector.broadcast %jit3A_107 : f32 to vector<16xf32>
          %broadcast_in_dim3A_110 = vector.broadcast %jit3A_108 : f32 to vector<16xf32>
          %select_n3A_111 = arith.select %gt3A_106, %broadcast_in_dim3A_109, %broadcast_in_dim3A_110 : vector<16xi1>, vector<16xf32>
          %gt3A_112 = arith.constant 5.000000e-01 : f32
          %gt3A_113 = vector.broadcast %gt3A_112 : f32 to vector<16xf32>
          %gt3A_114 = arith.cmpf ogt, %get3A_104, %gt3A_113 : vector<16xf32>
          %jit3A_115 = arith.constant 1.000000e+00 : f32
          %jit3A_116 = arith.constant 0.000000e+00 : f32
          %broadcast_in_dim3A_117 = vector.broadcast %jit3A_115 : f32 to vector<16xf32>
          %broadcast_in_dim3A_118 = vector.broadcast %jit3A_116 : f32 to vector<16xf32>
          %select_n3A_119 = arith.select %gt3A_114, %broadcast_in_dim3A_117, %broadcast_in_dim3A_118 : vector<16xi1>, vector<16xf32>
          %sub3A_120 = arith.subf %select_n3A_111, %select_n3A_119 : vector<16xf32>
          %mul3A_121 = arith.constant 16 : i32
          %mul3A_122 = arith.muli %scan3A_95, %mul3A_121 : i32
          %swap3A_123 = arith.index_cast %mul3A_122 : i32 to index
          %swap3A_124 = tpu.vector_load %arg9[%swap3A_123] {strides = array<i32>} : memref<12288xf32, #tpu.memory_space<vmem>>, vector<16xf32>,
          tpu.vector_store %arg9[%swap3A_123], %sub3A_120 {strides = array<i32>} : memref<12288xf32, #tpu.memory_space<vmem>>, vector<16xf32>,
          %scan3A_125 = arith.constant 0 : i32
          scf.yield %scan3A_125 : i32
        }
        %scan3A_88 = arith.constant 768 : i32
        %scan3A_89 = arith.constant 0 : i32
        %scan3A_90 = arith.constant 32 : i32
        %scan3A_91 = arith.addi %scan3A_89, %scan3A_90 : i32
        %scan3A_92 = arith.constant 1 : i32
        %scan3A_93 = scf.for %scan3A_95 = %scan3A_89 to %scan3A_91 step %scan3A_92 iter_args(%scan3A_96 = %scan3A_76) -> (f32)  : i32 {
          %mul3A_97 = vector.broadcast %scan3A_96 : f32 to vector<16xf32>
          %mul3A_98 = arith.mulf %get3A_47, %mul3A_97 : vector<16xf32>
          %parallel_loop3A = arith.constant 0 : i32
          %parallel_loop3A_99 = arith.constant 24 : i32
          %parallel_loop3A_100 = arith.constant 1 : i32
          scf.for %parallel_loop3A_103 = %parallel_loop3A to %parallel_loop3A_99 step %parallel_loop3A_100  : i32 {
            %parallel_loop3A_104 = arith.constant 384 : i32
            %parallel_loop3A_105 = arith.muli %scan3A_95, %parallel_loop3A_104 : i32
            %parallel_loop3A_106 = arith.constant 16 : i32
            %parallel_loop3A_107 = arith.muli %parallel_loop3A_103, %parallel_loop3A_106 : i32
            %parallel_loop3A_108 = arith.addi %parallel_loop3A_105, %parallel_loop3A_107 : i32
            %parallel_loop3A_109 = arith.index_cast %parallel_loop3A_108 : i32 to index
            %parallel_loop3A_110 = tpu.vector_load %arg9[%parallel_loop3A_109] {strides = array<i32>} : memref<12288xf32, #tpu.memory_space<vmem>>, vector<16xf32>,
            %parallel_loop3A_111 = arith.constant 256 : i32
            %parallel_loop3A_112 = arith.muli %parallel_loop3A_103, %parallel_loop3A_111 : i32
            %parallel_loop3A_113 = arith.constant 0 : i32
            %parallel_loop3A_114 = arith.addi %parallel_loop3A_112, %parallel_loop3A_113 : i32
            %parallel_loop3A_115 = arith.index_cast %parallel_loop3A_114 : i32 to index
            %parallel_loop3A_116 = tpu.vector_load %arg12[%parallel_loop3A_115] {strides = array<i32>} : memref<6144xf32, #tpu.memory_space<vmem>>, vector<16xf32>,
            %parallel_loop3A_117 = arith.addf %parallel_loop3A_116, %mul3A_98 : vector<16xf32>
            %parallel_loop3A_118 = arith.constant 5.440000e+02 : f32
            %parallel_loop3A_119 = vector.broadcast %parallel_loop3A_118 : f32 to vector<16xf32>
            %parallel_loop3A_120 = arith.addf %parallel_loop3A_117, %parallel_loop3A_119 : vector<16xf32>
            %parallel_loop3A_121 = arith.fptosi %parallel_loop3A_120 : vector<16xf32> to vector<16xi32>
            %parallel_loop3A_122 = arith.addi %mul3A_3, %parallel_loop3A_121 : vector<16xi32>
            %parallel_loop3A_123 = vector.extract_strided_slice %parallel_loop3A_110 {offsets = [0], sizes = [1], strides = [1]} : vector<16xf32> to vector<1xf32>
            %parallel_loop3A_124 = vector.extract %parallel_loop3A_123[0] : f32 from vector<1xf32>
            %parallel_loop3A_125 = vector.broadcast %parallel_loop3A_124 : f32 to vector<16xf32>
            tpu.vector_store_idx %arg14[%parallel_loop3A_122], %parallel_loop3A_125 {add = true} : memref<17408xf32, #tpu.memory_space<vmem>>[vector<16xi32>], vector<16xf32>,
            %parallel_loop3A_126 = arith.constant 256 : i32
            %parallel_loop3A_127 = arith.muli %parallel_loop3A_103, %parallel_loop3A_126 : i32
            %parallel_loop3A_128 = arith.constant 16 : i32
            %parallel_loop3A_129 = arith.addi %parallel_loop3A_127, %parallel_loop3A_128 : i32
            %parallel_loop3A_130 = arith.index_cast %parallel_loop3A_129 : i32 to index
            %parallel_loop3A_131 = tpu.vector_load %arg12[%parallel_loop3A_130] {strides = array<i32>} : memref<6144xf32, #tpu.memory_space<vmem>>, vector<16xf32>,
            %parallel_loop3A_132 = arith.addf %parallel_loop3A_131, %mul3A_98 : vector<16xf32>
            %parallel_loop3A_133 = arith.constant 5.440000e+02 : f32
            %parallel_loop3A_134 = vector.broadcast %parallel_loop3A_133 : f32 to vector<16xf32>
            %parallel_loop3A_135 = arith.addf %parallel_loop3A_132, %parallel_loop3A_134 : vector<16xf32>
            %parallel_loop3A_136 = arith.fptosi %parallel_loop3A_135 : vector<16xf32> to vector<16xi32>
            %parallel_loop3A_137 = arith.addi %mul3A_3, %parallel_loop3A_136 : vector<16xi32>
            %parallel_loop3A_138 = vector.extract_strided_slice %parallel_loop3A_110 {offsets = [1], sizes = [1], strides = [1]} : vector<16xf32> to vector<1xf32>
            %parallel_loop3A_139 = vector.extract %parallel_loop3A_138[0] : f32 from vector<1xf32>
            %parallel_loop3A_140 = vector.broadcast %parallel_loop3A_139 : f32 to vector<16xf32>
            tpu.vector_store_idx %arg14[%parallel_loop3A_137], %parallel_loop3A_140 {add = true} : memref<17408xf32, #tpu.memory_space<vmem>>[vector<16xi32>], vector<16xf32>,
            %parallel_loop3A_141 = arith.constant 256 : i32
            %parallel_loop3A_142 = arith.muli %parallel_loop3A_103, %parallel_loop3A_141 : i32
            %parallel_loop3A_143 = arith.constant 32 : i32
            %parallel_loop3A_144 = arith.addi %parallel_loop3A_142, %parallel_loop3A_143 : i32
            %parallel_loop3A_145 = arith.index_cast %parallel_loop3A_144 : i32 to index
            %parallel_loop3A_146 = tpu.vector_load %arg12[%parallel_loop3A_145] {strides = array<i32>} : memref<6144xf32, #tpu.memory_space<vmem>>, vector<16xf32>,
            %parallel_loop3A_147 = arith.addf %parallel_loop3A_146, %mul3A_98 : vector<16xf32>
            %parallel_loop3A_148 = arith.constant 5.440000e+02 : f32
            %parallel_loop3A_149 = vector.broadcast %parallel_loop3A_148 : f32 to vector<16xf32>
            %parallel_loop3A_150 = arith.addf %parallel_loop3A_147, %parallel_loop3A_149 : vector<16xf32>
            %parallel_loop3A_151 = arith.fptosi %parallel_loop3A_150 : vector<16xf32> to vector<16xi32>
            %parallel_loop3A_152 = arith.addi %mul3A_3, %parallel_loop3A_151 : vector<16xi32>
            %parallel_loop3A_153 = vector.extract_strided_slice %parallel_loop3A_110 {offsets = [2], sizes = [1], strides = [1]} : vector<16xf32> to vector<1xf32>
            %parallel_loop3A_154 = vector.extract %parallel_loop3A_153[0] : f32 from vector<1xf32>
            %parallel_loop3A_155 = vector.broadcast %parallel_loop3A_154 : f32 to vector<16xf32>
            tpu.vector_store_idx %arg14[%parallel_loop3A_152], %parallel_loop3A_155 {add = true} : memref<17408xf32, #tpu.memory_space<vmem>>[vector<16xi32>], vector<16xf32>,
            %parallel_loop3A_156 = arith.constant 256 : i32
            %parallel_loop3A_157 = arith.muli %parallel_loop3A_103, %parallel_loop3A_156 : i32
            %parallel_loop3A_158 = arith.constant 48 : i32
            %parallel_loop3A_159 = arith.addi %parallel_loop3A_157, %parallel_loop3A_158 : i32
            %parallel_loop3A_160 = arith.index_cast %parallel_loop3A_159 : i32 to index
            %parallel_loop3A_161 = tpu.vector_load %arg12[%parallel_loop3A_160] {strides = array<i32>} : memref<6144xf32, #tpu.memory_space<vmem>>, vector<16xf32>,
            %parallel_loop3A_162 = arith.addf %parallel_loop3A_161, %mul3A_98 : vector<16xf32>
            %parallel_loop3A_163 = arith.constant 5.440000e+02 : f32
            %parallel_loop3A_164 = vector.broadcast %parallel_loop3A_163 : f32 to vector<16xf32>
            %parallel_loop3A_165 = arith.addf %parallel_loop3A_162, %parallel_loop3A_164 : vector<16xf32>
            %parallel_loop3A_166 = arith.fptosi %parallel_loop3A_165 : vector<16xf32> to vector<16xi32>
            %parallel_loop3A_167 = arith.addi %mul3A_3, %parallel_loop3A_166 : vector<16xi32>
            %parallel_loop3A_168 = vector.extract_strided_slice %parallel_loop3A_110 {offsets = [3], sizes = [1], strides = [1]} : vector<16xf32> to vector<1xf32>
            %parallel_loop3A_169 = vector.extract %parallel_loop3A_168[0] : f32 from vector<1xf32>
            %parallel_loop3A_170 = vector.broadcast %parallel_loop3A_169 : f32 to vector<16xf32>
            tpu.vector_store_idx %arg14[%parallel_loop3A_167], %parallel_loop3A_170 {add = true} : memref<17408xf32, #tpu.memory_space<vmem>>[vector<16xi32>], vector<16xf32>,
            %parallel_loop3A_171 = arith.constant 256 : i32
            %parallel_loop3A_172 = arith.muli %parallel_loop3A_103, %parallel_loop3A_171 : i32
            %parallel_loop3A_173 = arith.constant 64 : i32
            %parallel_loop3A_174 = arith.addi %parallel_loop3A_172, %parallel_loop3A_173 : i32
            %parallel_loop3A_175 = arith.index_cast %parallel_loop3A_174 : i32 to index
            %parallel_loop3A_176 = tpu.vector_load %arg12[%parallel_loop3A_175] {strides = array<i32>} : memref<6144xf32, #tpu.memory_space<vmem>>, vector<16xf32>,
            %parallel_loop3A_177 = arith.addf %parallel_loop3A_176, %mul3A_98 : vector<16xf32>
            %parallel_loop3A_178 = arith.constant 5.440000e+02 : f32
            %parallel_loop3A_179 = vector.broadcast %parallel_loop3A_178 : f32 to vector<16xf32>
            %parallel_loop3A_180 = arith.addf %parallel_loop3A_177, %parallel_loop3A_179 : vector<16xf32>
            %parallel_loop3A_181 = arith.fptosi %parallel_loop3A_180 : vector<16xf32> to vector<16xi32>
            %parallel_loop3A_182 = arith.addi %mul3A_3, %parallel_loop3A_181 : vector<16xi32>
            %parallel_loop3A_183 = vector.extract_strided_slice %parallel_loop3A_110 {offsets = [4], sizes = [1], strides = [1]} : vector<16xf32> to vector<1xf32>
            %parallel_loop3A_184 = vector.extract %parallel_loop3A_183[0] : f32 from vector<1xf32>
            %parallel_loop3A_185 = vector.broadcast %parallel_loop3A_184 : f32 to vector<16xf32>
            tpu.vector_store_idx %arg14[%parallel_loop3A_182], %parallel_loop3A_185 {add = true} : memref<17408xf32, #tpu.memory_space<vmem>>[vector<16xi32>], vector<16xf32>,
            %parallel_loop3A_186 = arith.constant 256 : i32
            %parallel_loop3A_187 = arith.muli %parallel_loop3A_103, %parallel_loop3A_186 : i32
            %parallel_loop3A_188 = arith.constant 80 : i32
            %parallel_loop3A_189 = arith.addi %parallel_loop3A_187, %parallel_loop3A_188 : i32
            %parallel_loop3A_190 = arith.index_cast %parallel_loop3A_189 : i32 to index
            %parallel_loop3A_191 = tpu.vector_load %arg12[%parallel_loop3A_190] {strides = array<i32>} : memref<6144xf32, #tpu.memory_space<vmem>>, vector<16xf32>,
            %parallel_loop3A_192 = arith.addf %parallel_loop3A_191, %mul3A_98 : vector<16xf32>
            %parallel_loop3A_193 = arith.constant 5.440000e+02 : f32
            %parallel_loop3A_194 = vector.broadcast %parallel_loop3A_193 : f32 to vector<16xf32>
            %parallel_loop3A_195 = arith.addf %parallel_loop3A_192, %parallel_loop3A_194 : vector<16xf32>
            %parallel_loop3A_196 = arith.fptosi %parallel_loop3A_195 : vector<16xf32> to vector<16xi32>
            %parallel_loop3A_197 = arith.addi %mul3A_3, %parallel_loop3A_196 : vector<16xi32>
            %parallel_loop3A_198 = vector.extract_strided_slice %parallel_loop3A_110 {offsets = [5], sizes = [1], strides = [1]} : vector<16xf32> to vector<1xf32>
            %parallel_loop3A_199 = vector.extract %parallel_loop3A_198[0] : f32 from vector<1xf32>
            %parallel_loop3A_200 = vector.broadcast %parallel_loop3A_199 : f32 to vector<16xf32>
            tpu.vector_store_idx %arg14[%parallel_loop3A_197], %parallel_loop3A_200 {add = true} : memref<17408xf32, #tpu.memory_space<vmem>>[vector<16xi32>], vector<16xf32>,
            %parallel_loop3A_201 = arith.constant 256 : i32
            %parallel_loop3A_202 = arith.muli %parallel_loop3A_103, %parallel_loop3A_201 : i32
            %parallel_loop3A_203 = arith.constant 96 : i32
            %parallel_loop3A_204 = arith.addi %parallel_loop3A_202, %parallel_loop3A_203 : i32
            %parallel_loop3A_205 = arith.index_cast %parallel_loop3A_204 : i32 to index
            %parallel_loop3A_206 = tpu.vector_load %arg12[%parallel_loop3A_205] {strides = array<i32>} : memref<6144xf32, #tpu.memory_space<vmem>>, vector<16xf32>,
            %parallel_loop3A_207 = arith.addf %parallel_loop3A_206, %mul3A_98 : vector<16xf32>
            %parallel_loop3A_208 = arith.constant 5.440000e+02 : f32
            %parallel_loop3A_209 = vector.broadcast %parallel_loop3A_208 : f32 to vector<16xf32>
            %parallel_loop3A_210 = arith.addf %parallel_loop3A_207, %parallel_loop3A_209 : vector<16xf32>
            %parallel_loop3A_211 = arith.fptosi %parallel_loop3A_210 : vector<16xf32> to vector<16xi32>
            %parallel_loop3A_212 = arith.addi %mul3A_3, %parallel_loop3A_211 : vector<16xi32>
            %parallel_loop3A_213 = vector.extract_strided_slice %parallel_loop3A_110 {offsets = [6], sizes = [1], strides = [1]} : vector<16xf32> to vector<1xf32>
            %parallel_loop3A_214 = vector.extract %parallel_loop3A_213[0] : f32 from vector<1xf32>
            %parallel_loop3A_215 = vector.broadcast %parallel_loop3A_214 : f32 to vector<16xf32>
            tpu.vector_store_idx %arg14[%parallel_loop3A_212], %parallel_loop3A_215 {add = true} : memref<17408xf32, #tpu.memory_space<vmem>>[vector<16xi32>], vector<16xf32>,
            %parallel_loop3A_216 = arith.constant 256 : i32
            %parallel_loop3A_217 = arith.muli %parallel_loop3A_103, %parallel_loop3A_216 : i32
            %parallel_loop3A_218 = arith.constant 112 : i32
            %parallel_loop3A_219 = arith.addi %parallel_loop3A_217, %parallel_loop3A_218 : i32
            %parallel_loop3A_220 = arith.index_cast %parallel_loop3A_219 : i32 to index
            %parallel_loop3A_221 = tpu.vector_load %arg12[%parallel_loop3A_220] {strides = array<i32>} : memref<6144xf32, #tpu.memory_space<vmem>>, vector<16xf32>,
            %parallel_loop3A_222 = arith.addf %parallel_loop3A_221, %mul3A_98 : vector<16xf32>
            %parallel_loop3A_223 = arith.constant 5.440000e+02 : f32
            %parallel_loop3A_224 = vector.broadcast %parallel_loop3A_223 : f32 to vector<16xf32>
            %parallel_loop3A_225 = arith.addf %parallel_loop3A_222, %parallel_loop3A_224 : vector<16xf32>
            %parallel_loop3A_226 = arith.fptosi %parallel_loop3A_225 : vector<16xf32> to vector<16xi32>
            %parallel_loop3A_227 = arith.addi %mul3A_3, %parallel_loop3A_226 : vector<16xi32>
            %parallel_loop3A_228 = vector.extract_strided_slice %parallel_loop3A_110 {offsets = [7], sizes = [1], strides = [1]} : vector<16xf32> to vector<1xf32>
            %parallel_loop3A_229 = vector.extract %parallel_loop3A_228[0] : f32 from vector<1xf32>
            %parallel_loop3A_230 = vector.broadcast %parallel_loop3A_229 : f32 to vector<16xf32>
            tpu.vector_store_idx %arg14[%parallel_loop3A_227], %parallel_loop3A_230 {add = true} : memref<17408xf32, #tpu.memory_space<vmem>>[vector<16xi32>], vector<16xf32>,
            %parallel_loop3A_231 = arith.constant 256 : i32
            %parallel_loop3A_232 = arith.muli %parallel_loop3A_103, %parallel_loop3A_231 : i32
            %parallel_loop3A_233 = arith.constant 128 : i32
            %parallel_loop3A_234 = arith.addi %parallel_loop3A_232, %parallel_loop3A_233 : i32
            %parallel_loop3A_235 = arith.index_cast %parallel_loop3A_234 : i32 to index
            %parallel_loop3A_236 = tpu.vector_load %arg12[%parallel_loop3A_235] {strides = array<i32>} : memref<6144xf32, #tpu.memory_space<vmem>>, vector<16xf32>,
            %parallel_loop3A_237 = arith.addf %parallel_loop3A_236, %mul3A_98 : vector<16xf32>
            %parallel_loop3A_238 = arith.constant 5.440000e+02 : f32
            %parallel_loop3A_239 = vector.broadcast %parallel_loop3A_238 : f32 to vector<16xf32>
            %parallel_loop3A_240 = arith.addf %parallel_loop3A_237, %parallel_loop3A_239 : vector<16xf32>
            %parallel_loop3A_241 = arith.fptosi %parallel_loop3A_240 : vector<16xf32> to vector<16xi32>
            %parallel_loop3A_242 = arith.addi %mul3A_3, %parallel_loop3A_241 : vector<16xi32>
            %parallel_loop3A_243 = vector.extract_strided_slice %parallel_loop3A_110 {offsets = [8], sizes = [1], strides = [1]} : vector<16xf32> to vector<1xf32>
            %parallel_loop3A_244 = vector.extract %parallel_loop3A_243[0] : f32 from vector<1xf32>
            %parallel_loop3A_245 = vector.broadcast %parallel_loop3A_244 : f32 to vector<16xf32>
            tpu.vector_store_idx %arg14[%parallel_loop3A_242], %parallel_loop3A_245 {add = true} : memref<17408xf32, #tpu.memory_space<vmem>>[vector<16xi32>], vector<16xf32>,
            %parallel_loop3A_246 = arith.constant 256 : i32
            %parallel_loop3A_247 = arith.muli %parallel_loop3A_103, %parallel_loop3A_246 : i32
            %parallel_loop3A_248 = arith.constant 144 : i32
            %parallel_loop3A_249 = arith.addi %parallel_loop3A_247, %parallel_loop3A_248 : i32
            %parallel_loop3A_250 = arith.index_cast %parallel_loop3A_249 : i32 to index
            %parallel_loop3A_251 = tpu.vector_load %arg12[%parallel_loop3A_250] {strides = array<i32>} : memref<6144xf32, #tpu.memory_space<vmem>>, vector<16xf32>,
            %parallel_loop3A_252 = arith.addf %parallel_loop3A_251, %mul3A_98 : vector<16xf32>
            %parallel_loop3A_253 = arith.constant 5.440000e+02 : f32
            %parallel_loop3A_254 = vector.broadcast %parallel_loop3A_253 : f32 to vector<16xf32>
            %parallel_loop3A_255 = arith.addf %parallel_loop3A_252, %parallel_loop3A_254 : vector<16xf32>
            %parallel_loop3A_256 = arith.fptosi %parallel_loop3A_255 : vector<16xf32> to vector<16xi32>
            %parallel_loop3A_257 = arith.addi %mul3A_3, %parallel_loop3A_256 : vector<16xi32>
            %parallel_loop3A_258 = vector.extract_strided_slice %parallel_loop3A_110 {offsets = [9], sizes = [1], strides = [1]} : vector<16xf32> to vector<1xf32>
            %parallel_loop3A_259 = vector.extract %parallel_loop3A_258[0] : f32 from vector<1xf32>
            %parallel_loop3A_260 = vector.broadcast %parallel_loop3A_259 : f32 to vector<16xf32>
            tpu.vector_store_idx %arg14[%parallel_loop3A_257], %parallel_loop3A_260 {add = true} : memref<17408xf32, #tpu.memory_space<vmem>>[vector<16xi32>], vector<16xf32>,
            %parallel_loop3A_261 = arith.constant 256 : i32
            %parallel_loop3A_262 = arith.muli %parallel_loop3A_103, %parallel_loop3A_261 : i32
            %parallel_loop3A_263 = arith.constant 160 : i32
            %parallel_loop3A_264 = arith.addi %parallel_loop3A_262, %parallel_loop3A_263 : i32
            %parallel_loop3A_265 = arith.index_cast %parallel_loop3A_264 : i32 to index
            %parallel_loop3A_266 = tpu.vector_load %arg12[%parallel_loop3A_265] {strides = array<i32>} : memref<6144xf32, #tpu.memory_space<vmem>>, vector<16xf32>,
            %parallel_loop3A_267 = arith.addf %parallel_loop3A_266, %mul3A_98 : vector<16xf32>
            %parallel_loop3A_268 = arith.constant 5.440000e+02 : f32
            %parallel_loop3A_269 = vector.broadcast %parallel_loop3A_268 : f32 to vector<16xf32>
            %parallel_loop3A_270 = arith.addf %parallel_loop3A_267, %parallel_loop3A_269 : vector<16xf32>
            %parallel_loop3A_271 = arith.fptosi %parallel_loop3A_270 : vector<16xf32> to vector<16xi32>
            %parallel_loop3A_272 = arith.addi %mul3A_3, %parallel_loop3A_271 : vector<16xi32>
            %parallel_loop3A_273 = vector.extract_strided_slice %parallel_loop3A_110 {offsets = [10], sizes = [1], strides = [1]} : vector<16xf32> to vector<1xf32>
            %parallel_loop3A_274 = vector.extract %parallel_loop3A_273[0] : f32 from vector<1xf32>
            %parallel_loop3A_275 = vector.broadcast %parallel_loop3A_274 : f32 to vector<16xf32>
            tpu.vector_store_idx %arg14[%parallel_loop3A_272], %parallel_loop3A_275 {add = true} : memref<17408xf32, #tpu.memory_space<vmem>>[vector<16xi32>], vector<16xf32>,
            %parallel_loop3A_276 = arith.constant 256 : i32
            %parallel_loop3A_277 = arith.muli %parallel_loop3A_103, %parallel_loop3A_276 : i32
            %parallel_loop3A_278 = arith.constant 176 : i32
            %parallel_loop3A_279 = arith.addi %parallel_loop3A_277, %parallel_loop3A_278 : i32
            %parallel_loop3A_280 = arith.index_cast %parallel_loop3A_279 : i32 to index
            %parallel_loop3A_281 = tpu.vector_load %arg12[%parallel_loop3A_280] {strides = array<i32>} : memref<6144xf32, #tpu.memory_space<vmem>>, vector<16xf32>,
            %parallel_loop3A_282 = arith.addf %parallel_loop3A_281, %mul3A_98 : vector<16xf32>
            %parallel_loop3A_283 = arith.constant 5.440000e+02 : f32
            %parallel_loop3A_284 = vector.broadcast %parallel_loop3A_283 : f32 to vector<16xf32>
            %parallel_loop3A_285 = arith.addf %parallel_loop3A_282, %parallel_loop3A_284 : vector<16xf32>
            %parallel_loop3A_286 = arith.fptosi %parallel_loop3A_285 : vector<16xf32> to vector<16xi32>
            %parallel_loop3A_287 = arith.addi %mul3A_3, %parallel_loop3A_286 : vector<16xi32>
            %parallel_loop3A_288 = vector.extract_strided_slice %parallel_loop3A_110 {offsets = [11], sizes = [1], strides = [1]} : vector<16xf32> to vector<1xf32>
            %parallel_loop3A_289 = vector.extract %parallel_loop3A_288[0] : f32 from vector<1xf32>
            %parallel_loop3A_290 = vector.broadcast %parallel_loop3A_289 : f32 to vector<16xf32>
            tpu.vector_store_idx %arg14[%parallel_loop3A_287], %parallel_loop3A_290 {add = true} : memref<17408xf32, #tpu.memory_space<vmem>>[vector<16xi32>], vector<16xf32>,
            %parallel_loop3A_291 = arith.constant 256 : i32
            %parallel_loop3A_292 = arith.muli %parallel_loop3A_103, %parallel_loop3A_291 : i32
            %parallel_loop3A_293 = arith.constant 192 : i32
            %parallel_loop3A_294 = arith.addi %parallel_loop3A_292, %parallel_loop3A_293 : i32
            %parallel_loop3A_295 = arith.index_cast %parallel_loop3A_294 : i32 to index
            %parallel_loop3A_296 = tpu.vector_load %arg12[%parallel_loop3A_295] {strides = array<i32>} : memref<6144xf32, #tpu.memory_space<vmem>>, vector<16xf32>,
            %parallel_loop3A_297 = arith.addf %parallel_loop3A_296, %mul3A_98 : vector<16xf32>
            %parallel_loop3A_298 = arith.constant 5.440000e+02 : f32
            %parallel_loop3A_299 = vector.broadcast %parallel_loop3A_298 : f32 to vector<16xf32>
            %parallel_loop3A_300 = arith.addf %parallel_loop3A_297, %parallel_loop3A_299 : vector<16xf32>
            %parallel_loop3A_301 = arith.fptosi %parallel_loop3A_300 : vector<16xf32> to vector<16xi32>
            %parallel_loop3A_302 = arith.addi %mul3A_3, %parallel_loop3A_301 : vector<16xi32>
            %parallel_loop3A_303 = vector.extract_strided_slice %parallel_loop3A_110 {offsets = [12], sizes = [1], strides = [1]} : vector<16xf32> to vector<1xf32>
            %parallel_loop3A_304 = vector.extract %parallel_loop3A_303[0] : f32 from vector<1xf32>
            %parallel_loop3A_305 = vector.broadcast %parallel_loop3A_304 : f32 to vector<16xf32>
            tpu.vector_store_idx %arg14[%parallel_loop3A_302], %parallel_loop3A_305 {add = true} : memref<17408xf32, #tpu.memory_space<vmem>>[vector<16xi32>], vector<16xf32>,
            %parallel_loop3A_306 = arith.constant 256 : i32
            %parallel_loop3A_307 = arith.muli %parallel_loop3A_103, %parallel_loop3A_306 : i32
            %parallel_loop3A_308 = arith.constant 208 : i32
            %parallel_loop3A_309 = arith.addi %parallel_loop3A_307, %parallel_loop3A_308 : i32
            %parallel_loop3A_310 = arith.index_cast %parallel_loop3A_309 : i32 to index
            %parallel_loop3A_311 = tpu.vector_load %arg12[%parallel_loop3A_310] {strides = array<i32>} : memref<6144xf32, #tpu.memory_space<vmem>>, vector<16xf32>,
            %parallel_loop3A_312 = arith.addf %parallel_loop3A_311, %mul3A_98 : vector<16xf32>
            %parallel_loop3A_313 = arith.constant 5.440000e+02 : f32
            %parallel_loop3A_314 = vector.broadcast %parallel_loop3A_313 : f32 to vector<16xf32>
            %parallel_loop3A_315 = arith.addf %parallel_loop3A_312, %parallel_loop3A_314 : vector<16xf32>
            %parallel_loop3A_316 = arith.fptosi %parallel_loop3A_315 : vector<16xf32> to vector<16xi32>
            %parallel_loop3A_317 = arith.addi %mul3A_3, %parallel_loop3A_316 : vector<16xi32>
            %parallel_loop3A_318 = vector.extract_strided_slice %parallel_loop3A_110 {offsets = [13], sizes = [1], strides = [1]} : vector<16xf32> to vector<1xf32>
            %parallel_loop3A_319 = vector.extract %parallel_loop3A_318[0] : f32 from vector<1xf32>
            %parallel_loop3A_320 = vector.broadcast %parallel_loop3A_319 : f32 to vector<16xf32>
            tpu.vector_store_idx %arg14[%parallel_loop3A_317], %parallel_loop3A_320 {add = true} : memref<17408xf32, #tpu.memory_space<vmem>>[vector<16xi32>], vector<16xf32>,
            %parallel_loop3A_321 = arith.constant 256 : i32
            %parallel_loop3A_322 = arith.muli %parallel_loop3A_103, %parallel_loop3A_321 : i32
            %parallel_loop3A_323 = arith.constant 224 : i32
            %parallel_loop3A_324 = arith.addi %parallel_loop3A_322, %parallel_loop3A_323 : i32
            %parallel_loop3A_325 = arith.index_cast %parallel_loop3A_324 : i32 to index
            %parallel_loop3A_326 = tpu.vector_load %arg12[%parallel_loop3A_325] {strides = array<i32>} : memref<6144xf32, #tpu.memory_space<vmem>>, vector<16xf32>,
            %parallel_loop3A_327 = arith.addf %parallel_loop3A_326, %mul3A_98 : vector<16xf32>
            %parallel_loop3A_328 = arith.constant 5.440000e+02 : f32
            %parallel_loop3A_329 = vector.broadcast %parallel_loop3A_328 : f32 to vector<16xf32>
            %parallel_loop3A_330 = arith.addf %parallel_loop3A_327, %parallel_loop3A_329 : vector<16xf32>
            %parallel_loop3A_331 = arith.fptosi %parallel_loop3A_330 : vector<16xf32> to vector<16xi32>
            %parallel_loop3A_332 = arith.addi %mul3A_3, %parallel_loop3A_331 : vector<16xi32>
            %parallel_loop3A_333 = vector.extract_strided_slice %parallel_loop3A_110 {offsets = [14], sizes = [1], strides = [1]} : vector<16xf32> to vector<1xf32>
            %parallel_loop3A_334 = vector.extract %parallel_loop3A_333[0] : f32 from vector<1xf32>
            %parallel_loop3A_335 = vector.broadcast %parallel_loop3A_334 : f32 to vector<16xf32>
            tpu.vector_store_idx %arg14[%parallel_loop3A_332], %parallel_loop3A_335 {add = true} : memref<17408xf32, #tpu.memory_space<vmem>>[vector<16xi32>], vector<16xf32>,
            %parallel_loop3A_336 = arith.constant 256 : i32
            %parallel_loop3A_337 = arith.muli %parallel_loop3A_103, %parallel_loop3A_336 : i32
            %parallel_loop3A_338 = arith.constant 240 : i32
            %parallel_loop3A_339 = arith.addi %parallel_loop3A_337, %parallel_loop3A_338 : i32
            %parallel_loop3A_340 = arith.index_cast %parallel_loop3A_339 : i32 to index
            %parallel_loop3A_341 = tpu.vector_load %arg12[%parallel_loop3A_340] {strides = array<i32>} : memref<6144xf32, #tpu.memory_space<vmem>>, vector<16xf32>,
            %parallel_loop3A_342 = arith.addf %parallel_loop3A_341, %mul3A_98 : vector<16xf32>
            %parallel_loop3A_343 = arith.constant 5.440000e+02 : f32
            %parallel_loop3A_344 = vector.broadcast %parallel_loop3A_343 : f32 to vector<16xf32>
            %parallel_loop3A_345 = arith.addf %parallel_loop3A_342, %parallel_loop3A_344 : vector<16xf32>
            %parallel_loop3A_346 = arith.fptosi %parallel_loop3A_345 : vector<16xf32> to vector<16xi32>
            %parallel_loop3A_347 = arith.addi %mul3A_3, %parallel_loop3A_346 : vector<16xi32>
            %parallel_loop3A_348 = vector.extract_strided_slice %parallel_loop3A_110 {offsets = [15], sizes = [1], strides = [1]} : vector<16xf32> to vector<1xf32>
            %parallel_loop3A_349 = vector.extract %parallel_loop3A_348[0] : f32 from vector<1xf32>
            %parallel_loop3A_350 = vector.broadcast %parallel_loop3A_349 : f32 to vector<16xf32>
            tpu.vector_store_idx %arg14[%parallel_loop3A_347], %parallel_loop3A_350 {add = true} : memref<17408xf32, #tpu.memory_space<vmem>>[vector<16xi32>], vector<16xf32>,
          } {sc.loop_unroll_factor = 2 : i64, sc.parallel_access}
          %add3A_101 = arith.constant 1.000000e+00 : f32
          %add3A_102 = arith.addf %scan3A_96, %add3A_101 : f32
          scf.yield %add3A_102 : f32
        }
        %scan3A_94 = arith.constant 32 : i32
        scf.yield %scan3A_93 : f32
      }
      %scan3A_67 = arith.constant 12 : i32
      %scan3A_68 = arith.constant 0 : i32
      %scan3A_69 = arith.constant 0 : i32
      %scan3A_70 = arith.constant 16 : i32
      %scan3A_71 = arith.addi %scan3A_69, %scan3A_70 : i32
      %scan3A_72 = arith.constant 1 : i32
      %scan3A_73 = scf.for %scan3A_75 = %scan3A_69 to %scan3A_71 step %scan3A_72 iter_args(%scan3A_76 = %scan3A_68) -> (i32)  : i32 {
        %scan3A_77 = arith.constant 0 : i32
        %scan3A_78 = arith.constant 68 : i32
        %scan3A_79 = arith.addi %scan3A_77, %scan3A_78 : i32
        %scan3A_80 = arith.constant 1 : i32
        %scan3A_81 = scf.for %scan3A_99 = %scan3A_77 to %scan3A_79 step %scan3A_80 iter_args(%scan3A_100 = %broadcast_in_dim3A_4) -> (vector<16xf32>)  : i32 {
          %mul3A_101 = arith.constant 1088 : i32
          %mul3A_102 = arith.muli %scan3A_75, %mul3A_101 : i32
          %mul3A_103 = arith.constant 16 : i32
          %mul3A_104 = arith.muli %scan3A_99, %mul3A_103 : i32
          %add3A_105 = arith.addi %mul3A_102, %mul3A_104 : i32
          %get3A_106 = arith.index_cast %add3A_105 : i32 to index
          %get3A_107 = tpu.vector_load %arg14[%get3A_106] {strides = array<i32>} : memref<17408xf32, #tpu.memory_space<vmem>>, vector<16xf32>,
          %abs3A = math.absf %get3A_107 : vector<16xf32>
          %add3A_108 = arith.addf %scan3A_100, %abs3A : vector<16xf32>
          scf.yield %add3A_108 : vector<16xf32>
        }
        %scan3A_82 = arith.constant 68 : i32
        %mul3A_83 = arith.constant 16 : i32
        %mul3A_84 = arith.muli %select_n3A_40, %mul3A_83 : i32
        %add3A_85 = arith.addi %mul3A_84, %scan3A_75 : i32
        %lt3A_86 = arith.constant 180 : i32
        %lt3A_87 = arith.cmpi slt, %add3A_85, %lt3A_86 : i32
        %jit3A_88 = arith.constant 1.000000e+00 : f32
        %jit3A_89 = arith.constant 0.000000e+00 : f32
        %select_n3A_90 = arith.select %lt3A_87, %jit3A_88, %jit3A_89 : f32
        %get3A_91 = arith.constant 0 : index
        %get3A_92 = tpu.vector_load %arg13[%get3A_91] {strides = array<i32>} : memref<16xf32, #tpu.memory_space<vmem>>, vector<16xf32>,
        %mul3A_93 = vector.broadcast %select_n3A_90 : f32 to vector<16xf32>
        %mul3A_94 = arith.mulf %scan3A_81, %mul3A_93 : vector<16xf32>
        %add3A_95 = arith.addf %get3A_92, %mul3A_94 : vector<16xf32>
        %swap3A_96 = arith.constant 0 : index
        %swap3A_97 = tpu.vector_load %arg13[%swap3A_96] {strides = array<i32>} : memref<16xf32, #tpu.memory_space<vmem>>, vector<16xf32>,
        tpu.vector_store %arg13[%swap3A_96], %add3A_95 {strides = array<i32>} : memref<16xf32, #tpu.memory_space<vmem>>, vector<16xf32>,
        %scan3A_98 = arith.constant 0 : i32
        scf.yield %scan3A_98 : i32
      }
      %scan3A_74 = arith.constant 16 : i32
    } else {
    }
    %mul3A_8 = arith.constant 16 : i32
    %mul3A_9 = arith.muli %add3A, %mul3A_8 : i32
    "tpu.region"() ({
      %run_scoped3A = tpu.sem_alloc : memref<!tpu.dma_semaphore, #tpu.memory_space<semaphore_mem>>
      %dma_start3A = tpu.memref_slice %arg6[%mul3A_9] : memref<512xf32, #tpu.memory_space<hbm>> -> memref<16xf32, #tpu.memory_space<hbm>>
      %dma_start3A_10 = tpu.memref_slice %arg6[%mul3A_9] : memref<512xf32, #tpu.memory_space<hbm>> -> memref<16xf32, #tpu.memory_space<hbm>>
      tpu.enqueue_dma source(%arg13 : memref<16xf32, #tpu.memory_space<vmem>>) target(%dma_start3A_10 : memref<16xf32, #tpu.memory_space<hbm>>) target_semaphore(%run_scoped3A : memref<!tpu.dma_semaphore, #tpu.memory_space<semaphore_mem>>)
      %dma_wait3A = tpu.memref_slice %arg6[%mul3A_9] : memref<512xf32, #tpu.memory_space<hbm>> -> memref<16xf32, #tpu.memory_space<hbm>>
      %dma_wait3A_11 = tpu.memref_slice %arg6[%mul3A_9] : memref<512xf32, #tpu.memory_space<hbm>> -> memref<16xf32, #tpu.memory_space<hbm>>
      tpu.wait_dma2 semaphore(%run_scoped3A : memref<!tpu.dma_semaphore, #tpu.memory_space<semaphore_mem>>) src(%arg13 : memref<16xf32, #tpu.memory_space<vmem>>) dst(%dma_wait3A_11 : memref<16xf32, #tpu.memory_space<hbm>>)
      tpu.yield
    }) : () -> ()
    return
  }
}

</mosaic_0001>

<sc_bundles>
// kernel: kernel.3.cloned.1.call-start
scs
__scs_entry_jumppad:
0x0: {  	(pc) =	sbr.rel $0x88, $3  }
0x1: {  	(tag) =	ssettag $0x0;
	lr =	simm.s32 $0x1  }
0x2: {  	[smem:$0x3F9F] =	sst lr;
	_ =	strace $0xD0000000  }
0x3: {  	_ = 	snop  }
0x4: {  	_ = 	snop  }
0x5: {  	_ = 	snop  }
0x6: {  	_ = 	snop  }
0x7: {  	_ = 	snop  }
__scs_overlays_trampoline_lowered:
0x8: {  	[smem:$0x3FAE] =	sst s0  }
0x9: {  	[smem:$0x3FAF] =	sst s1  }
0xa: {  	[smem:$0x3FB0] =	sst s2  }
0xb: {  	[smem:$0x3FB1] =	sst s3  }
0xc: {  	[smem:$0x3FB2] =	sst s4  }
0xd: {  	[smem:$0x3FB3] =	sst s5  }
0xe: {  	[smem:$0x3FB4] =	sst s6  }
0xf: {  	[smem:$0x3FB5] =	sst s7  }
0x10: {  	[smem:$0x3FB6] =	sst s8  }
0x11: {  	[smem:$0x3FB7] =	sst s9;
	s0 =	simm.s32 @!p0 $0x0  }
0x12: {  	s1 =	sld [smem:$0x3F9D];
	s0 =	simm.s32 @p0 $0x1  }
0x13: {  	[smem:$0x3FB8] =	sst s0;
	s0 =	simm.s32 @!p1 $0x0  }
0x14: {  	s2 =	sld [smem:$0x3F9C];
	s0 =	simm.s32 @p1 $0x1  }
0x15: {  	[smem:$0x3FB9] =	sst s0;
	s0 =	simm.s32 @!p2 $0x0  }
0x16: {  	s3 =	sld [smem:$0x3FDB];
	s0 =	simm.s32 @p2 $0x1  }
0x17: {  	s4 =	simm.s32 $0x1BF5;
	[smem:$0x3FBB] =	sst s0  }
0x18: {  	s0 =	sld [smem:$0x3F9E];
	_ =	swait.ge [sflag:s4], $0x0  }
0x19: {  	s7 =	sld [smem:$0x3F9F]  }
0x1a: {  	s8 =	sadd.s32 $0xFFFFE003, lr  }
0x1b: {  	s9 =	sadd.s32 $0xFFFFFEF7, lr;
	s5 =	simm.s32 $0xFFFFFFFF;
	p2 =	slt.u32 s8, $0xFFFFF086  }
0x1c: {  	p1 =	slt.u32 s9, $0xF7A;
	s5 =	simm.s32 @!p2 $0x0  }
0x1d: {  	s5 =	simm.s32 @p1 $0x1;
	p0 =	seq.s32 s7, s2  }
0x1e: {  	s7 =	smul.u32 @!p0 $0xF7A, s2;
	p2 =	seq.s32 @!p0 s5, $0x0  }
0x1f: {  	s9 =	smul.u32 $0xF7A, s1;
	s8 =	simm.s32 @!p0 $0x1BF5;
	p2 =	por !p2, p0  }
0x20: {  	[sflag:s8] =	ssyncset.s32 @!p0 $0xFFFFF086;
	s6 =	sadd.s32 @!p0 s3, s7;
	s7 =	simm.s32 @!p0 $0x108  }
0x21: {  	s3 =	sadd.s32 s3, s9;
	s6 =	sadd.s32 @!p0 $0x88, s6;
	s7 =	simm.s32 @p2 $0x1082  }
0x22: {  	[simem:s7], [sflag:s8] =	dma.local @!p0 [hbm:s6], $0xF7A  }
0x23: {  	s9 =	sor.u32 $0xD0000000, s2;
	s6 =	simm.s32 $0x108;
	_ =	swait.ge @!p0 [sflag:s8], $0x0  }
0x24: {  	s3 =	sadd.s32 $0x88, s3;
	s6 =	simm.s32 @!p1 $0x1082;
	[sflag:s4] =	ssyncset.s32 $0xFFFFF086  }
0x25: {  	[simem:s6], [sflag:s4] =	dma.local [hbm:s3], $0xF7A  }
0x26: {  	[smem:$0x3F9F] =	sst s1;
	(tag) =	ssettag s2;
	_ =	strace s9  }
0x27: {  	s1 =	sld [smem:$0x3FAF]  }
0x28: {  	s2 =	sld [smem:$0x3FB0]  }
0x29: {  	s4 =	sld [smem:$0x3FB2]  }
0x2a: {  	p0 =	seq.s32 s5, $0x0;
	s5 =	sld [smem:$0x3FB3]  }
0x2b: {  	s6 =	sld [smem:$0x3FB4]  }
0x2c: {  	s7 =	sld [smem:$0x3FB5]  }
0x2d: {  	s3 =	simm.s32 $0x108;
	s8 =	sld [smem:$0x3FB6]  }
0x2e: {  	s3 =	simm.s32 @!p0 $0x1082;
	s9 =	sld [smem:$0x3FB7]  }
0x2f: {  	lr =	sadd.s32 s0, s3;
	s0 =	sld [smem:$0x3FAE]  }
0x30: {  	s3 =	sld [smem:$0x3FB1]  }
0x31: {  	[smem:$0x3FBA] =	sst s10  }
0x32: {  	s10 =	sld [smem:$0x3FB8];
	_ =	sdelay $0x3  }
0x33: {  	p0 =	seq.s32 s10, $0x1;
	s10 =	sld [smem:$0x3FBA];
	_ =	sdelay $0x3  }
0x34: {  	[smem:$0x3FBA] =	sst s10  }
0x35: {  	s10 =	sld [smem:$0x3FB9];
	_ =	sdelay $0x3  }
0x36: {  	p1 =	seq.s32 s10, $0x1;
	s10 =	sld [smem:$0x3FBA];
	_ =	sdelay $0x3  }
0x37: {  	[smem:$0x3FBA] =	sst s10  }
0x38: {  	s10 =	sld [smem:$0x3FBB]  }
0x39: {  	_ = 	snop;
	(pc) =	sbr.ind lr, $3  }
0x3a: {  	_ = 	snop  }
0x3b: {  	_ = 	snop  }
0x3c: {  	p2 =	seq.s32 s10, $0x1;
	s10 =	sld [smem:$0x3FBA]  }
0x3d: {  	_ =	shalt  }
0x3e: {  	_ =	shalt  }
0x3f: {  	_ =	shalt  }
0x40: {  	_ =	shalt  }
0x41: {  	_ =	shalt  }
0x42: {  	_ =	shalt  }
0x43: {  	_ =	shalt  }
0x44: {  	_ =	shalt  }
0x45: {  	_ =	shalt  }
0x46: {  	_ =	shalt  }
0x47: {  	_ =	shalt  }
0x48: {  	_ =	shalt  }
0x49: {  	_ =	shalt  }
0x4a: {  	_ =	shalt  }
0x4b: {  	_ =	shalt  }
0x4c: {  	_ =	shalt  }
0x4d: {  	_ =	shalt  }
0x4e: {  	_ =	shalt  }
0x4f: {  	_ =	shalt  }
0x50: {  	_ =	shalt  }
0x51: {  	_ =	shalt  }
0x52: {  	_ =	shalt  }
0x53: {  	_ =	shalt  }
0x54: {  	_ =	shalt  }
0x55: {  	_ =	shalt  }
0x56: {  	_ =	shalt  }
0x57: {  	_ =	shalt  }
0x58: {  	_ =	shalt  }
0x59: {  	_ =	shalt  }
0x5a: {  	_ =	shalt  }
0x5b: {  	_ =	shalt  }
0x5c: {  	_ =	shalt  }
0x5d: {  	_ =	shalt  }
0x5e: {  	_ =	shalt  }
0x5f: {  	_ =	shalt  }
0x60: {  	_ =	shalt  }
0x61: {  	_ =	shalt  }
0x62: {  	_ =	shalt  }
0x63: {  	_ =	shalt  }
0x64: {  	_ =	shalt  }
0x65: {  	_ =	shalt  }
0x66: {  	_ =	shalt  }
0x67: {  	_ =	shalt  }
0x68: {  	_ =	shalt  }
0x69: {  	_ =	shalt  }
0x6a: {  	_ =	shalt  }
0x6b: {  	_ =	shalt  }
0x6c: {  	_ =	shalt  }
0x6d: {  	_ =	shalt  }
0x6e: {  	_ =	shalt  }
0x6f: {  	_ =	shalt  }
0x70: {  	_ =	shalt  }
0x71: {  	_ =	shalt  }
0x72: {  	_ =	shalt  }
0x73: {  	_ =	shalt  }
0x74: {  	_ =	shalt  }
0x75: {  	_ =	shalt  }
0x76: {  	_ =	shalt  }
0x77: {  	_ =	shalt  }
0x78: {  	_ =	shalt  }
0x79: {  	_ =	shalt  }
0x7a: {  	_ =	shalt  }
0x7b: {  	_ =	shalt  }
0x7c: {  	_ =	shalt  }
0x7d: {  	_ =	shalt  }
0x7e: {  	_ =	shalt  }
0x7f: {  	_ =	shalt  }
0x80: {  	_ =	shalt  }
0x81: {  	_ =	shalt  }
0x82: {  	_ =	shalt  }
0x83: {  	_ =	shalt  }
0x84: {  	_ =	shalt  }
0x85: {  	_ =	shalt  }
0x86: {  	_ =	shalt  }
0x87: {  	_ =	shalt  }
.Lfunc_end0:
.L_simem_size_0:
called_computation_lowered:
.L_overlay_start_0:
0x88: {  	s2 =	sld [smem:$0x3FD9]  }
0x89: {  	s3 =	sld [smem:$0x3FFE];
	_ =	sdelay $0x1  }
0x8a: {  	s1 =	srdreg.scid  }
0x8b: {  	s0 =	sand.u32 $0x1, s1  }
0x8c: {  	s16 =	sshll.u32 s0, $0xA;
	s2 =	sadd.s32 s3, s2  }
0x8d: {  	s2 =	sadd.s32 s2, s16  }
0x8e: {  	[smem:$0x3FC6] =	sst s2  }
0x8f: {  	_ = 	snop  }
0x90: {  	(tm) =	ssettm $0x1  }
0x91: {  	s17 =	sld [smem:$0x3FFB];
	_ =	sdelay $0x3  }
0x92: {  	_ =	strace s17  }
0x93: {  	s2 =	sld [smem:$0x3FFC];
	_ =	sdelay $0x3  }
0x94: {  	_ =	strace s2  }
0x95: {  	s2 =	sld [smem:$0x3FFD];
	_ =	sdelay $0x3  }
0x96: {  	_ =	strace s2  }
0x97: {  	_ =	strace $0x8FFFFFFF  }
0x98: {  	s18 =	sld [smem:$0x3FDB];
	_ =	sdelay $0x1  }
0x99: {  	s19 =	simm.s32 $_scs_section_size  }
0x9a: {  	s4 =	simm.s32 $_size__tile_overlayer_lowered;
	s5 =	simm.s32 $_tile_overlayer_lowered  }
0x9b: {  	s22 =	simm.s32 $0x1BFF;
	s21 =	sshll.u32 s5, $0x1;
	s2 =	sadd.s32 s19, s18  }
0x9c: {  	s6 =	simm.s32 $0x0;
	s20 =	sshll.u32 s4, $0x1;
	s4 =	sadd.s32 s21, s2  }
0x9d: {  	[timem:s6], [sflag:s22] =	dma.local [hbm:s4], s20  }
0x9e: {  	_ =	swait.ge [sflag:s22], s20  }
0x9f: {  	s3 =	ssub.s32 $0x0, s20;
	[sflag:s22] =	ssyncset.done $0x0  }
0xa0: {  	[sflag:s22] =	ssyncadd.s32 s3;
	_ =	sdelay $0x1  }
0xa1: {  	s23 =	simm.s32 $0x1B8B  }
0xa2: {  	_ =	swait.ge [sflag:s23], $0x1  }
0xa3: {  	[sflag:s23] =	ssyncset.done $0x0  }
0xa4: {  	s25 =	simm.s32 $0x1B8E;
	s24 =	sld [smem:$0x3FFE];
	[sflag:s23] =	ssyncadd.s32 $0xFFFFFFFF  }
0xa5: {  	s26 =	simm.s32 $execute0_lowered;
	[smem:$0x3FD2] =	sst s25  }
0xa6: {  	s4 =	sshll.u32 s26, $0x1;
	_ =	strace $0x80000046;
	[dreg:$0x1] =	wrdreg $0xFFFFFFFF  }
0xa7: {  	s28 =	simm.s32 $_size_execute0_lowered;
	s2 =	sadd.s32 s2, s4;
	[dreg:$0x0] =	wrdreg $0x0  }
0xa8: {  	s4 =	sshll.u32 s28, $0x1;
	[dreg:$0x2] =	wrdreg s2  }
0xa9: {  	[dreg:$0x3] =	wrdreg s4  }
0xaa: {  	[dreg:$0x4] =	wrdreg $0xC0  }
0xab: {  	_ =	task [dreg:s6], $0x5FFFF  }
0xac: {  	[dreg:$0x1] =	wrdreg $0xFFFFFFFF  }
0xad: {  	[dreg:$0x0] =	wrdreg $0x60  }
0xae: {  	[dreg:$0x2] =	wrdreg s24  }
0xaf: {  	[dreg:$0x3] =	wrdreg $0x9  }
0xb0: {  	_ =	task.clear_ibuf [dreg:s6], $0x4FFFF;
	_ =	strace $0x90000046  }
0xb1: {  	s29 =	simm.s32 $0x9;
	_ =	strace $0x80000048  }
0xb2: {  	_ =	swait.ge [sflag:s29], $0x1  }
0xb3: {  	[sflag:s29] =	ssyncadd.s32 $0xFFFFFFFF  }
0xb4: {  	_ =	strace $0x90000048  }
0xb5: {  	_ =	sfence  }
0xb6: {  	s30 =	sld [smem:$0x0];
	_ =	sdelay $0x2  }
0xb7: {  	s31 =	sshll.u32 s1, $0xD;
	s1 =	sshrl.u32 s1, $0x2  }
0xb8: {  	s3 =	sand.u32 $0x4000, s31;
	s1 =	sadd.s32 s1, s30  }
0xb9: {  	s0 =	sor.u32 s3, s0;
	s1 =	sshll.u32 s1, $0x11  }
0xba: {  	s0 =	sor.u32 s1, s0  }
0xbb: {  	s0 =	sadd.s32 $0x8F2B, s0  }
0xbc: {  	[sflag:s0] =	ssyncadd.remote.s32 $0x1  }
0xbd: {  	_ =	sfence.sel $0xFFFF  }
0xbe: {  	[dreg:$0x0] =	wrdreg $0xFFFFFFFF;
	(pc) =	sbr.abs _section_cstart, $3  }
0xbf: {  	[dreg:$0x1] =	wrdreg $0xFFFFFFFF  }
0xc0: {  	_ =	task.clear_ibuf [dreg:s6], $0x2FFFF;
	_ =	strace $0x9FFFFFFF  }
0xc1: {  	(tm) =	ssettm $0x7FFFFFFF  }
tec
execute0_lowered:
.L_overlay_start_1:
0x0: {  	(tag) =	ssettag $0x1  }
0x1: {  	s1 =	srdreg.scid;
	s0 =	stileid.u32  }
0x2: {  	s1 =	sand.u32 $0x1, s1;
	s2 =	sshll.u32 s0, $0x1  }
0x3: {  	s5 =	sor.u32 s1, s2  }
0x4: {  	s6 =	rddreg [dreg:$0x0];
	s12 =	simm.s32 $0x1;
	s2 =	smul.u32 $0x16, s5  }
0x5: {  	s14 =	simm.s32 $0x3000;
	s15 =	simm.s32 $0xA980;
	s11 =	simm.s32 $0xA900  }
0x6: {  	s17 =	simm.s32 $0x0;
	s1 =	ssub.s32 $0x2, s1;
	s2 =	sshrl.u32 s2, $0x8  }
0x7: {  	s9 =	sshrl.u32 s1, $0x1;
	s3 =	smul.u32 $0xC, s2;
	s2 =	simm.s32 $0x0  }
0x8: {  	p0 =	sgt.u32 s0, $0x5;
	s1 =	ssub.s32 s1, s9;
	[smem:$0x7FF] =	sst s2  }
0x9: {  	s4 =	ssub.s32 s5, s3;
	_ =	strace $0x80000047;
	s3 =	sadd.s32 $0x800, s6  }
.Ltmp0:
0xa: {  	s5 =	sshll.u32 s5, $0x1;
	s7 =	sand.u32 $0xFF, s4;
	(pc) =	sbr.rel .LBB2_1-.Ltmp0, $4  }
0xb: {  	s4 =	sadd.s32 $0x9800, s6;
	s10 =	sadd.s32 s5, s6;
	s8 =	sshll.u32 s7, $0x1  }
0xc: {  	v1 =	vlaneseq.u32;
	s5 =	sshll.u32 s7, $0x4;
	s7 =	simm.s32 $0x24000;
	s9 =	sadd.s32 $0x12800, s10  }
0xd: {  	v1 =	vmul.u32 $0x440, v1;
	s10 =	smax.u32 s1, $0x1;
	s8 =	sadd.s32 s8, s6;
	s7 =	simm.s32 @!p0 $0x5  }
0xe: {  	v0 =	vimm.f32 $0.0e+00;
	p0 =	sgt.u32 s0, $0xB;
	s6 =	sadd.s32 $0x600, s8;
	s8 =	sadd.s32 $0x400, s8  }
.LBB2_18:
0xf: {  	s17 =	sadd.s32 $0x1, s17  }
0x10: {  	p1 =	sne.s32 s17, s10  }
.Ltmp1:
0x11: {  	_ = 	snop;
	(pc) =	sbr.rel @!p1 .LBB2_19-.Ltmp1, $4  }
0x12: {  	[hbm4b:s9+s2] =	stream.linear.scatter [tilespmem:s11], [sflag:$0x1], $0x10, $0x38;
	[tilespmem:$0xED80] =	vst v63  }
0x13: {  	_ =	swait.ge [sflag:s12], $0x10  }
0x14: {  	[sflag:s12] =	ssyncset.done $0x0  }
0x15: {  	[sflag:s12] =	ssyncadd.s32 $0xFFFFFFF0  }
.LBB2_1:
.Ltmp2:
0x16: {  	(pc) =	sbr.rel @p0 .LBB2_18-.Ltmp2, $2  }
0x17: {  	_ =	sdelay $0x2  }
0x18: {  	[tilespmem:$0xA900] =	vst v0  }
0x19: {  	s1 =	simm.s32 $0x0;
	s0 =	simm.s32 $0x9000  }
0x1a: {  	[tilespmem:s0], [sflag:$0x1] =	stream.linear.gather [hbm4b:s6+s1], $0x10, $0x38;
	[tilespmem:$0xED80] =	vst v63  }
0x1b: {  	_ =	swait.ge [sflag:s12], $0x10  }
0x1c: {  	[sflag:s12] =	ssyncset.done $0x0  }
0x1d: {  	s31 =	simm.s32 $0x9080;
	[sflag:s12] =	ssyncadd.s32 $0xFFFFFFF0  }
0x1e: {  	[tilespmem:s31], [sflag:$0x1] =	stream.linear.gather [hbm4b:s8+s1], $0x10, $0x38;
	[tilespmem:$0xED80] =	vst v63  }
0x1f: {  	_ =	swait.ge [sflag:s12], $0x10  }
0x20: {  	[sflag:s12] =	ssyncset.done $0x0  }
0x21: {  	[sflag:s12] =	ssyncadd.s32 $0xFFFFFFF0  }
0x22: {  	v3 =	vld [tilespmem:$0x9000];
	_ =	sdelay $0x3  }
0x23: {  	s18 =	simm.f32 $0.0e+00  }
0x24: {  	s19 =	simm.s32 $0x40;
	s20 =	simm.s32 $0x0;
	v2 =	vld [tilespmem:$0x9080];
	v4 =	vmul.f32 s18, v3  }
.LBB2_3:
0x25: {  	p1 =	sne.s32 s19, $0x5FC0  }
0x26: {  	[tilespmem:s20+$0x9100] =	vst v4;
	s18 =	sadd.f32 $1.000000000e+00, s18;
	s20 =	smov.u32 s19;
	s19 =	sadd.s32 $0x40, s19  }
.Ltmp3:
0x27: {  	(pc) =	sbr.rel @p1 .LBB2_3-.Ltmp3, $3  }
0x28: {  	_ =	sdelay $0x1  }
0x29: {  	v4 =	vmul.f32 s18, v3  }
0x2a: {  	s20 =	sshra.s32 s20, $0x2  }
0x2b: {  	[tilespmem:s20+$0x9100] =	vst v4  }
.LBB2_5:
0x2c: {  	p1 =	seq.s32 s1, $0x10FC0  }
.Ltmp4:
0x2d: {  	_ = 	snop;
	(pc) =	sbr.rel @!p1 .LBB2_5-.Ltmp4, $3  }
0x2e: {  	_ =	sdelay $0x1  }
0x2f: {  	s18 =	sshra.s32 s1, $0x2  }
0x30: {  	s1 =	sadd.s32 $0x40, s1;
	[tilespmem:s18+$0xA980] =	vst v0  }
0x31: {  	s18 =	simm.s32 $0x0;
	s19 =	simm.f32 $0.0e+00;
	s20 =	simm.s32 $0x0  }
.LBB2_7:
0x32: {  	s1 =	smul.u32 $0x3000, s20;
	_ =	sdelay $0x1  }
0x33: {  	s1 =	sadd.s32 s7, s1  }
0x34: {  	s1 =	sshrl.u32 s1, $0x3  }
0x35: {  	s21 =	sadd.s32 s3, s1  }
0x36: {  	[tilespmem:s18], [sflag:$0x1] =	stream.linear.gather [hbm4b:s21+s18], $0x3000, $0x38;
	[tilespmem:$0xED80] =	vst v63  }
0x37: {  	_ =	swait.ge [sflag:s12], $0x3000  }
0x38: {  	[sflag:s12] =	ssyncset.done $0x0  }
0x39: {  	s1 =	sadd.s32 s4, s1;
	[sflag:s12] =	ssyncadd.s32 $0xFFFFD000  }
0x3a: {  	[tilespmem:s14], [sflag:$0x1] =	stream.linear.gather [hbm4b:s1+s18], $0x3000, $0x38;
	[tilespmem:$0xED80] =	vst v63  }
0x3b: {  	_ =	swait.ge [sflag:s12], $0x3000  }
0x3c: {  	[sflag:s12] =	ssyncset.done $0x0  }
0x3d: {  	s1 =	simm.s32 $0x0;
	[sflag:s12] =	ssyncadd.s32 $0xFFFFD000  }
0x3e: {  	v3 =	vld [tilespmem:s1+$0x0]  }
0x3f: {  	v4 =	vld [tilespmem:s1+$0x3000];
	_ =	sdelay $0x2  }
0x40: {  	s21 =	simm.s32 $0x40  }
.LBB2_8:
0x41: {  	s22 =	sshra.s32 s21, $0x2;
	p1 =	sne.s32 s21, $0xBFC0  }
.Ltmp5:
0x42: {  	s21 =	sadd.s32 $0x40, s21;
	vm0 =	vgt.f32 v3, $5.000000000e-01;
	v3 =	vld [tilespmem:s22+$0x0];
	vm1 =	vgt.f32 v4, $5.000000000e-01;
	(pc) =	sbr.rel @p1 .LBB2_8-.Ltmp5, $3  }
0x43: {  	v5 =	vsel vm0, $0x3F800000, v0;
	v4 =	vld [tilespmem:s22+$0x3000];
	v6 =	vsel vm1, $0x3F800000, v0  }
0x44: {  	v5 =	vsub.f32 v5, v6;
	_ =	sdelay $0x1  }
0x45: {  	[tilespmem:s1+$0x6000] =	vst v5;
	s1 =	smov.u32 s22  }
0x46: {  	_ = 	snop  }
0x47: {  	vm0 =	vgt.f32 v3, $5.000000000e-01;
	vm1 =	vgt.f32 v4, $5.000000000e-01  }
0x48: {  	v3 =	vsel vm0, $0x3F800000, v0;
	v4 =	vsel vm1, $0x3F800000, v0  }
0x49: {  	v3 =	vsub.f32 v3, v4;
	_ =	sdelay $0x1  }
0x4a: {  	s21 =	simm.s32 $0x0;
	s22 =	simm.s32 $0x0;
	s23 =	simm.s32 $0x0;
	[tilespmem:s1+$0x6000] =	vst v3  }
.LBB2_10:
0x4b: {  	s30 =	simm.s32 $0x9200  }
0x4c: {  	v4 =	vld [tilespmem:s30+$0x0];
	_ =	sdelay $0x2  }
0x4d: {  	v3 =	vmul.f32 s19, v2;
	_ =	sdelay $0x1  }
0x4e: {  	v4 =	vadd.f32 v4, v3  }
0x4f: {  	s1 =	sadd.s32 $0x0, s22  }
0x50: {  	s24 =	simm.s32 $0x10;
	s25 =	sadd.s32 $0x10, s1;
	v4 =	vadd.f32 $5.440000000e+02, v4  }
0x51: {  	s24 =	sand.u32 $0x70, s24;
	s25 =	sand.u32 $0x7F80, s25  }
0x52: {  	s24 =	sor.u32 s24, s25;
	v4 =	vtrunc.f32 v4  }
0x53: {  	v18 =	vld [tilespmem:s24+$0x6000];
	v4 =	vcvt.f32.s32 v4;
	_ =	sdelay $0x1  }
0x54: {  	v4 =	vadd.s32 v1, v4;
	_ =	sdelay $0x2  }
0x55: {  	v5 =	vbroadcast v18, $0x0;
	_ =	sdelay $0x1  }
0x56: {  	[tilespmem:v4+s15+$0x0] =	vst.idx.add.f32.msk $0xffff, v5  }
0x57: {  	v4 =	vld [tilespmem:s30+$0x10];
	_ =	sdelay $0x4  }
0x58: {  	v4 =	vadd.f32 v4, v3;
	_ =	sdelay $0x1  }
0x59: {  	v4 =	vadd.f32 $5.440000000e+02, v4;
	_ =	sdelay $0x1  }
0x5a: {  	v4 =	vtrunc.f32 v4  }
0x5b: {  	v4 =	vcvt.f32.s32 v4;
	_ =	sdelay $0x1  }
0x5c: {  	v4 =	vadd.s32 v1, v4;
	_ =	sdelay $0x2  }
0x5d: {  	v5 =	vbroadcast v18, $0x1  }
0x5e: {  	v6 =	vld [tilespmem:s30+$0xFFFFFF00]  }
0x5f: {  	[tilespmem:v4+s15+$0x0] =	vst.idx.add.f32.msk $0xffff, v5  }
0x60: {  	v4 =	vld [tilespmem:s30+$0x20];
	_ =	sdelay $0x2  }
0x61: {  	v5 =	vadd.f32 v6, v3;
	_ =	sdelay $0x1  }
0x62: {  	v5 =	vadd.f32 $5.440000000e+02, v5;
	v4 =	vadd.f32 v4, v3  }
0x63: {  	s26 =	sand.u32 $0x60, s21;
	s1 =	sand.u32 $0x7F80, s1  }
0x64: {  	s1 =	sor.u32 s26, s1;
	v5 =	vtrunc.f32 v5;
	v4 =	vadd.f32 $5.440000000e+02, v4  }
0x65: {  	v6 =	vld [tilespmem:s1+$0x6000];
	v5 =	vcvt.f32.s32 v5  }
0x66: {  	v4 =	vtrunc.f32 v4  }
0x67: {  	v5 =	vadd.s32 v1, v5;
	v4 =	vcvt.f32.s32 v4;
	_ =	sdelay $0x1  }
0x68: {  	v4 =	vadd.s32 v1, v4  }
0x69: {  	v7 =	vbroadcast v6, $0x0;
	_ =	sdelay $0x1  }
0x6a: {  	[tilespmem:v5+s15+$0x0] =	vst.idx.add.f32.msk $0xffff, v7;
	v5 =	vbroadcast v18, $0x2  }
0x6b: {  	v7 =	vld [tilespmem:s30+$0xFFFFFF10]  }
0x6c: {  	[tilespmem:v4+s15+$0x0] =	vst.idx.add.f32.msk $0xffff, v5  }
0x6d: {  	v4 =	vld [tilespmem:s30+$0x30];
	_ =	sdelay $0x2  }
0x6e: {  	s24 =	simm.s32 $0x9400;
	v5 =	vadd.f32 v7, v3  }
0x6f: {  	v7 =	vld [tilespmem:s24+$0x0]  }
0x70: {  	v5 =	vadd.f32 $5.440000000e+02, v5;
	v4 =	vadd.f32 v4, v3;
	_ =	sdelay $0x1  }
0x71: {  	v5 =	vtrunc.f32 v5;
	v4 =	vadd.f32 $5.440000000e+02, v4  }
0x72: {  	v5 =	vcvt.f32.s32 v5  }
0x73: {  	v7 =	vadd.f32 v7, v3;
	v4 =	vtrunc.f32 v4  }
0x74: {  	s0 =	sadd.s32 $0x20, s22;
	v5 =	vadd.s32 v1, v5;
	v4 =	vcvt.f32.s32 v4  }
0x75: {  	s11 =	simm.s32 $0x30;
	s26 =	sadd.s32 $0x10, s0;
	v7 =	vadd.f32 $5.440000000e+02, v7  }
0x76: {  	s26 =	sand.u32 $0x7F80, s26;
	s25 =	sand.u32 $0x70, s11;
	v4 =	vadd.s32 v1, v4  }
0x77: {  	s25 =	sor.u32 s25, s26;
	v8 =	vbroadcast v6, $0x1;
	v7 =	vtrunc.f32 v7  }
0x78: {  	v28 =	vld [tilespmem:s25+$0x6000];
	v7 =	vcvt.f32.s32 v7  }
0x79: {  	[tilespmem:v5+s15+$0x0] =	vst.idx.add.f32.msk $0xffff, v8;
	v5 =	vbroadcast v18, $0x3  }
0x7a: {  	v7 =	vadd.s32 v1, v7;
	v8 =	vld [tilespmem:s30+$0xFFFFFF20]  }
0x7b: {  	[tilespmem:v4+s15+$0x0] =	vst.idx.add.f32.msk $0xffff, v5  }
0x7c: {  	v4 =	vld [tilespmem:s30+$0x40]  }
0x7d: {  	v5 =	vbroadcast v28, $0x0;
	_ =	sdelay $0x1  }
0x7e: {  	v8 =	vadd.f32 v8, v3;
	[tilespmem:v7+s15+$0x0] =	vst.idx.add.f32.msk $0xffff, v5  }
0x7f: {  	v5 =	vld [tilespmem:s24+$0x10]  }
0x80: {  	v7 =	vadd.f32 $5.440000000e+02, v8;
	v4 =	vadd.f32 v4, v3;
	_ =	sdelay $0x1  }
0x81: {  	v7 =	vtrunc.f32 v7;
	v4 =	vadd.f32 $5.440000000e+02, v4  }
0x82: {  	v7 =	vcvt.f32.s32 v7  }
0x83: {  	v5 =	vadd.f32 v5, v3;
	v4 =	vtrunc.f32 v4  }
0x84: {  	v7 =	vadd.s32 v1, v7;
	v4 =	vcvt.f32.s32 v4  }
0x85: {  	v5 =	vadd.f32 $5.440000000e+02, v5  }
0x86: {  	v4 =	vadd.s32 v1, v4  }
0x87: {  	v9 =	vld [tilespmem:s24+$0xFFFFFF00];
	v8 =	vbroadcast v6, $0x2;
	v5 =	vtrunc.f32 v5  }
0x88: {  	v5 =	vcvt.f32.s32 v5  }
0x89: {  	[tilespmem:v7+s15+$0x0] =	vst.idx.add.f32.msk $0xffff, v8;
	v7 =	vbroadcast v18, $0x4  }
0x8a: {  	v8 =	vld [tilespmem:s30+$0xFFFFFF30];
	v5 =	vadd.s32 v1, v5  }
0x8b: {  	[tilespmem:v4+s15+$0x0] =	vst.idx.add.f32.msk $0xffff, v7  }
0x8c: {  	v4 =	vadd.f32 v9, v3;
	v9 =	vld [tilespmem:s30+$0x50]  }
0x8d: {  	v7 =	vbroadcast v28, $0x1  }
0x8e: {  	s13 =	simm.s32 $0x20;
	v4 =	vadd.f32 $5.440000000e+02, v4  }
0x8f: {  	s25 =	sand.u32 $0x60, s13;
	s1 =	sand.u32 $0x7F80, s0;
	v8 =	vadd.f32 v8, v3;
	[tilespmem:v5+s15+$0x0] =	vst.idx.add.f32.msk $0xffff, v7  }
0x90: {  	s1 =	sor.u32 s25, s1;
	v5 =	vld [tilespmem:s24+$0x20];
	v4 =	vtrunc.f32 v4  }
0x91: {  	v8 =	vadd.f32 $5.440000000e+02, v8;
	v7 =	vld [tilespmem:s1+$0x6000];
	v4 =	vcvt.f32.s32 v4;
	v9 =	vadd.f32 v9, v3;
	_ =	sdelay $0x1  }
0x92: {  	v8 =	vtrunc.f32 v8;
	v4 =	vadd.s32 v1, v4;
	v9 =	vadd.f32 $5.440000000e+02, v9  }
0x93: {  	v8 =	vcvt.f32.s32 v8  }
0x94: {  	v5 =	vadd.f32 v5, v3;
	v9 =	vtrunc.f32 v9  }
0x95: {  	v8 =	vadd.s32 v1, v8;
	v10 =	vbroadcast v7, $0x0;
	v9 =	vcvt.f32.s32 v9  }
0x96: {  	v5 =	vadd.f32 $5.440000000e+02, v5  }
0x97: {  	[tilespmem:v4+s15+$0x0] =	vst.idx.add.f32.msk $0xffff, v10;
	v4 =	vadd.s32 v1, v9  }
0x98: {  	v5 =	vtrunc.f32 v5;
	v9 =	vbroadcast v6, $0x3;
	v10 =	vld [tilespmem:s24+$0xFFFFFF10]  }
0x99: {  	v5 =	vcvt.f32.s32 v5  }
0x9a: {  	[tilespmem:v8+s15+$0x0] =	vst.idx.add.f32.msk $0xffff, v9;
	v8 =	vbroadcast v18, $0x5  }
0x9b: {  	v5 =	vadd.s32 v1, v5;
	v9 =	vld [tilespmem:s30+$0xFFFFFF40]  }
0x9c: {  	[tilespmem:v4+s15+$0x0] =	vst.idx.add.f32.msk $0xffff, v8  }
0x9d: {  	v4 =	vadd.f32 v10, v3;
	v8 =	vld [tilespmem:s30+$0x60]  }
0x9e: {  	v10 =	vbroadcast v28, $0x2  }
0x9f: {  	v4 =	vadd.f32 $5.440000000e+02, v4  }
0xa0: {  	[tilespmem:v5+s15+$0x0] =	vst.idx.add.f32.msk $0xffff, v10;
	v9 =	vadd.f32 v9, v3  }
0xa1: {  	v5 =	vld [tilespmem:s24+$0x30];
	v4 =	vtrunc.f32 v4  }
0xa2: {  	v9 =	vadd.f32 $5.440000000e+02, v9;
	v4 =	vcvt.f32.s32 v4;
	v8 =	vadd.f32 v8, v3;
	_ =	sdelay $0x1  }
0xa3: {  	v9 =	vtrunc.f32 v9;
	v4 =	vadd.s32 v1, v4;
	v8 =	vadd.f32 $5.440000000e+02, v8  }
0xa4: {  	v9 =	vcvt.f32.s32 v9  }
0xa5: {  	v5 =	vadd.f32 v5, v3;
	v8 =	vtrunc.f32 v8  }
0xa6: {  	v10 =	vbroadcast v7, $0x1;
	v9 =	vadd.s32 v1, v9;
	v8 =	vcvt.f32.s32 v8  }
0xa7: {  	v5 =	vadd.f32 $5.440000000e+02, v5  }
0xa8: {  	[tilespmem:v4+s15+$0x0] =	vst.idx.add.f32.msk $0xffff, v10;
	v4 =	vadd.s32 v1, v8  }
0xa9: {  	v5 =	vtrunc.f32 v5;
	v8 =	vbroadcast v6, $0x4;
	v10 =	vld [tilespmem:s24+$0xFFFFFF20]  }
0xaa: {  	v5 =	vcvt.f32.s32 v5  }
0xab: {  	s25 =	simm.s32 $0x9600;
	[tilespmem:v9+s15+$0x0] =	vst.idx.add.f32.msk $0xffff, v8;
	v8 =	vbroadcast v18, $0x6  }
0xac: {  	v9 =	vld [tilespmem:s25+$0x0];
	v5 =	vadd.s32 v1, v5  }
0xad: {  	[tilespmem:v4+s15+$0x0] =	vst.idx.add.f32.msk $0xffff, v8  }
0xae: {  	v4 =	vadd.f32 v10, v3;
	v10 =	vld [tilespmem:s30+$0xFFFFFF50]  }
0xaf: {  	v11 =	vbroadcast v28, $0x3;
	v8 =	vld [tilespmem:s30+$0x70]  }
0xb0: {  	v4 =	vadd.f32 $5.440000000e+02, v4  }
0xb1: {  	v9 =	vadd.f32 v9, v3;
	[tilespmem:v5+s15+$0x0] =	vst.idx.add.f32.msk $0xffff, v11  }
0xb2: {  	s16 =	sadd.s32 $0x40, s22;
	v5 =	vld [tilespmem:s24+$0x40];
	v4 =	vtrunc.f32 v4  }
0xb3: {  	s28 =	sadd.s32 $0x10, s16;
	s0 =	simm.s32 $0x50;
	v9 =	vadd.f32 $5.440000000e+02, v9;
	v4 =	vcvt.f32.s32 v4;
	v10 =	vadd.f32 v10, v3  }
0xb4: {  	s28 =	sand.u32 $0x7F80, s28;
	s26 =	sand.u32 $0x70, s0;
	v8 =	vadd.f32 v8, v3  }
0xb5: {  	s26 =	sor.u32 s26, s28;
	v9 =	vtrunc.f32 v9;
	v11 =	vadd.s32 v1, v4;
	v10 =	vadd.f32 $5.440000000e+02, v10  }
0xb6: {  	v4 =	vld [tilespmem:s26+$0x6000];
	v9 =	vcvt.f32.s32 v9;
	v8 =	vadd.f32 $5.440000000e+02, v8  }
0xb7: {  	v12 =	vld [tilespmem:s25+$0xFFFFFF00];
	v13 =	vbroadcast v7, $0x2;
	v5 =	vadd.f32 v5, v3;
	v10 =	vtrunc.f32 v10  }
0xb8: {  	v9 =	vadd.s32 v1, v9;
	v8 =	vtrunc.f32 v8;
	v10 =	vcvt.f32.s32 v10  }
0xb9: {  	s11 =	simm.s32 $0x40;
	v5 =	vadd.f32 $5.440000000e+02, v5;
	v8 =	vcvt.f32.s32 v8  }
0xba: {  	s1 =	sand.u32 $0x7F80, s16;
	s26 =	sand.u32 $0x60, s11;
	[tilespmem:v11+s15+$0x0] =	vst.idx.add.f32.msk $0xffff, v13;
	v10 =	vadd.s32 v1, v10  }
0xbb: {  	s1 =	sor.u32 s26, s1;
	v14 =	vbroadcast v4, $0x0;
	v5 =	vtrunc.f32 v5;
	v11 =	vadd.s32 v1, v8;
	v13 =	vld [tilespmem:s24+$0xFFFFFF30]  }
0xbc: {  	v12 =	vadd.f32 v12, v3;
	v8 =	vld [tilespmem:s1+$0x6000];
	v5 =	vcvt.f32.s32 v5  }
0xbd: {  	[tilespmem:v9+s15+$0x0] =	vst.idx.add.f32.msk $0xffff, v14;
	v14 =	vbroadcast v6, $0x5  }
0xbe: {  	v15 =	vbroadcast v18, $0x7;
	v12 =	vadd.f32 $5.440000000e+02, v12;
	v9 =	vld [tilespmem:s25+$0x10];
	v5 =	vadd.s32 v1, v5  }
0xbf: {  	[tilespmem:v10+s15+$0x0] =	vst.idx.add.f32.msk $0xffff, v14  }
0xc0: {  	v12 =	vtrunc.f32 v12;
	[tilespmem:v11+s15+$0x0] =	vst.idx.add.f32.msk $0xffff, v15  }
0xc1: {  	v12 =	vcvt.f32.s32 v12;
	v10 =	vbroadcast v28, $0x4;
	v11 =	vadd.f32 v13, v3;
	v13 =	vld [tilespmem:s30+$0x80]  }
0xc2: {  	v14 =	vld [tilespmem:s30+$0xFFFFFF60]  }
0xc3: {  	v12 =	vadd.s32 v1, v12;
	v11 =	vadd.f32 $5.440000000e+02, v11;
	[tilespmem:v5+s15+$0x0] =	vst.idx.add.f32.msk $0xffff, v10  }
0xc4: {  	v9 =	vadd.f32 v9, v3;
	v10 =	vld [tilespmem:s24+$0x50]  }
0xc5: {  	v5 =	vtrunc.f32 v11;
	v11 =	vbroadcast v8, $0x0  }
0xc6: {  	v9 =	vadd.f32 $5.440000000e+02, v9;
	v5 =	vcvt.f32.s32 v5;
	v13 =	vadd.f32 v13, v3  }
0xc7: {  	v14 =	vadd.f32 v14, v3  }
0xc8: {  	[tilespmem:v12+s15+$0x0] =	vst.idx.add.f32.msk $0xffff, v11;
	v9 =	vtrunc.f32 v9;
	v5 =	vadd.s32 v1, v5;
	v11 =	vadd.f32 $5.440000000e+02, v13  }
0xc9: {  	v12 =	vld [tilespmem:s25+$0xFFFFFF10];
	v9 =	vcvt.f32.s32 v9;
	v10 =	vadd.f32 v10, v3  }
0xca: {  	v13 =	vadd.f32 $5.440000000e+02, v14;
	v14 =	vbroadcast v7, $0x3;
	v11 =	vtrunc.f32 v11  }
0xcb: {  	v9 =	vadd.s32 v1, v9;
	v10 =	vadd.f32 $5.440000000e+02, v10;
	v11 =	vcvt.f32.s32 v11  }
0xcc: {  	v13 =	vtrunc.f32 v13  }
0xcd: {  	v13 =	vcvt.f32.s32 v13;
	[tilespmem:v5+s15+$0x0] =	vst.idx.add.f32.msk $0xffff, v14;
	v10 =	vtrunc.f32 v10;
	v11 =	vadd.s32 v1, v11  }
0xce: {  	v5 =	vadd.f32 v12, v3;
	v12 =	vbroadcast v4, $0x1;
	v14 =	vld [tilespmem:s24+$0xFFFFFF40];
	v10 =	vcvt.f32.s32 v10  }
0xcf: {  	v13 =	vadd.s32 v1, v13  }
0xd0: {  	v15 =	vbroadcast v18, $0x8;
	v5 =	vadd.f32 $5.440000000e+02, v5;
	[tilespmem:v9+s15+$0x0] =	vst.idx.add.f32.msk $0xffff, v12;
	v10 =	vadd.s32 v1, v10  }
0xd1: {  	v9 =	vld [tilespmem:s25+$0x20]  }
0xd2: {  	v5 =	vtrunc.f32 v5;
	[tilespmem:v11+s15+$0x0] =	vst.idx.add.f32.msk $0xffff, v15;
	v11 =	vbroadcast v6, $0x6  }
0xd3: {  	v5 =	vcvt.f32.s32 v5;
	v14 =	vadd.f32 v14, v3;
	v15 =	vbroadcast v28, $0x5;
	v12 =	vld [tilespmem:s30+$0x90]  }
0xd4: {  	[tilespmem:v13+s15+$0x0] =	vst.idx.add.f32.msk $0xffff, v11  }
0xd5: {  	v5 =	vadd.s32 v1, v5;
	v11 =	vadd.f32 $5.440000000e+02, v14;
	[tilespmem:v10+s15+$0x0] =	vst.idx.add.f32.msk $0xffff, v15  }
0xd6: {  	v9 =	vadd.f32 v9, v3;
	v13 =	vld [tilespmem:s24+$0x60]  }
0xd7: {  	v10 =	vbroadcast v8, $0x1;
	v14 =	vld [tilespmem:s30+$0xFFFFFF70];
	v11 =	vtrunc.f32 v11  }
0xd8: {  	v9 =	vadd.f32 $5.440000000e+02, v9;
	v11 =	vcvt.f32.s32 v11;
	v12 =	vadd.f32 v12, v3;
	_ =	sdelay $0x1  }
0xd9: {  	[tilespmem:v5+s15+$0x0] =	vst.idx.add.f32.msk $0xffff, v10;
	v9 =	vtrunc.f32 v9;
	v10 =	vadd.s32 v1, v11;
	v5 =	vadd.f32 $5.440000000e+02, v12  }
0xda: {  	v11 =	vld [tilespmem:s25+$0xFFFFFF20];
	v9 =	vcvt.f32.s32 v9;
	v12 =	vadd.f32 v13, v3  }
0xdb: {  	v13 =	vadd.f32 v14, v3;
	v14 =	vbroadcast v7, $0x4;
	v5 =	vtrunc.f32 v5  }
0xdc: {  	v9 =	vadd.s32 v1, v9;
	v12 =	vadd.f32 $5.440000000e+02, v12;
	v5 =	vcvt.f32.s32 v5;
	_ =	sdelay $0x1  }
0xdd: {  	v13 =	vadd.f32 $5.440000000e+02, v13;
	[tilespmem:v10+s15+$0x0] =	vst.idx.add.f32.msk $0xffff, v14;
	v12 =	vtrunc.f32 v12;
	v5 =	vadd.s32 v1, v5  }
0xde: {  	v10 =	vadd.f32 v11, v3;
	v11 =	vbroadcast v4, $0x2;
	v14 =	vld [tilespmem:s24+$0xFFFFFF50];
	v12 =	vcvt.f32.s32 v12  }
0xdf: {  	v15 =	vbroadcast v18, $0x9  }
0xe0: {  	v13 =	vtrunc.f32 v13;
	v10 =	vadd.f32 $5.440000000e+02, v10;
	[tilespmem:v9+s15+$0x0] =	vst.idx.add.f32.msk $0xffff, v11;
	v12 =	vadd.s32 v1, v12  }
0xe1: {  	v9 =	vcvt.f32.s32 v13;
	v11 =	vld [tilespmem:s25+$0x30]  }
0xe2: {  	v13 =	vbroadcast v28, $0x6;
	v10 =	vtrunc.f32 v10;
	[tilespmem:v5+s15+$0x0] =	vst.idx.add.f32.msk $0xffff, v15  }
0xe3: {  	v5 =	vadd.s32 v1, v9;
	v9 =	vcvt.f32.s32 v10;
	v14 =	vadd.f32 v14, v3;
	v10 =	vld [tilespmem:s30+$0xA0];
	_ =	sdelay $0x1  }
0xe4: {  	v9 =	vadd.s32 v1, v9;
	[tilespmem:v12+s15+$0x0] =	vst.idx.add.f32.msk $0xffff, v13;
	v12 =	vadd.f32 $5.440000000e+02, v14  }
0xe5: {  	v15 =	vbroadcast v6, $0x7;
	v11 =	vadd.f32 v11, v3;
	v13 =	vld [tilespmem:s24+$0x70]  }
0xe6: {  	v14 =	vbroadcast v8, $0x2;
	v12 =	vtrunc.f32 v12  }
0xe7: {  	[tilespmem:v5+s15+$0x0] =	vst.idx.add.f32.msk $0xffff, v15;
	v12 =	vcvt.f32.s32 v12;
	v5 =	vadd.f32 v10, v3;
	v10 =	vadd.f32 $5.440000000e+02, v11  }
0xe8: {  	v11 =	vld [tilespmem:s30+$0xFFFFFF80]  }
0xe9: {  	[tilespmem:v9+s15+$0x0] =	vst.idx.add.f32.msk $0xffff, v14;
	v12 =	vadd.s32 v1, v12;
	v9 =	vtrunc.f32 v10  }
0xea: {  	s26 =	simm.s32 $0x9800;
	v5 =	vadd.f32 $5.440000000e+02, v5;
	v10 =	vld [tilespmem:s25+$0xFFFFFF30];
	v13 =	vadd.f32 v13, v3;
	v9 =	vcvt.f32.s32 v9  }
0xeb: {  	v14 =	vld [tilespmem:s26+$0x0]  }
0xec: {  	v5 =	vtrunc.f32 v5;
	v13 =	vadd.f32 $5.440000000e+02, v13;
	v9 =	vadd.s32 v1, v9  }
0xed: {  	v15 =	vbroadcast v7, $0x5;
	v5 =	vcvt.f32.s32 v5  }
0xee: {  	v16 =	vld [tilespmem:s26+$0xFFFFFF00];
	v17 =	vbroadcast v4, $0x3;
	v11 =	vadd.f32 v11, v3;
	v13 =	vtrunc.f32 v13  }
0xef: {  	[tilespmem:v12+s15+$0x0] =	vst.idx.add.f32.msk $0xffff, v15;
	v5 =	vadd.s32 v1, v5;
	v10 =	vadd.f32 v10, v3;
	v12 =	vcvt.f32.s32 v13  }
0xf0: {  	v11 =	vadd.f32 $5.440000000e+02, v11;
	v13 =	vadd.f32 v14, v3  }
0xf1: {  	v10 =	vadd.f32 $5.440000000e+02, v10;
	v15 =	vadd.s32 v1, v12;
	[tilespmem:v9+s15+$0x0] =	vst.idx.add.f32.msk $0xffff, v17  }
0xf2: {  	s13 =	sadd.s32 $0x60, s22;
	v12 =	vadd.f32 $5.440000000e+02, v13;
	v9 =	vtrunc.f32 v11;
	v11 =	vbroadcast v18, $0xA;
	v14 =	vld [tilespmem:s25+$0x40]  }
0xf3: {  	s29 =	sadd.s32 $0x10, s13;
	s28 =	simm.s32 $0x70;
	v17 =	vld [tilespmem:s24+$0xFFFFFF60];
	v9 =	vcvt.f32.s32 v9  }
0xf4: {  	s29 =	sand.u32 $0x7F80, s29;
	s28 =	sand.u32 $0x70, s28;
	v10 =	vtrunc.f32 v10;
	v12 =	vtrunc.f32 v12;
	[tilespmem:v5+s15+$0x0] =	vst.idx.add.f32.msk $0xffff, v11;
	v5 =	vadd.f32 v16, v3  }
0xf5: {  	s28 =	sor.u32 s28, s29;
	v10 =	vcvt.f32.s32 v10;
	v16 =	vbroadcast v28, $0x7;
	v9 =	vadd.s32 v1, v9;
	v11 =	vld [tilespmem:s30+$0xB0]  }
0xf6: {  	s29 =	simm.s32 $0x60;
	v20 =	vcvt.f32.s32 v12;
	v19 =	vadd.f32 $5.440000000e+02, v5;
	v5 =	vld [tilespmem:s28+$0x6000]  }
0xf7: {  	s1 =	sand.u32 $0x7F80, s13;
	v10 =	vadd.s32 v1, v10;
	s28 =	sand.u32 $0x60, s29;
	[tilespmem:v15+s15+$0x0] =	vst.idx.add.f32.msk $0xffff, v16;
	v14 =	vadd.f32 v14, v3  }
0xf8: {  	v13 =	vbroadcast v6, $0x8;
	v22 =	vadd.s32 v1, v20;
	s1 =	sor.u32 s28, s1;
	v23 =	vld [tilespmem:s24+$0x80];
	v19 =	vtrunc.f32 v19  }
0xf9: {  	v15 =	vld [tilespmem:s1+$0x6000];
	v19 =	vcvt.f32.s32 v19;
	v14 =	vadd.f32 $5.440000000e+02, v14  }
0xfa: {  	v24 =	vbroadcast v8, $0x3;
	[tilespmem:v9+s15+$0x0] =	vst.idx.add.f32.msk $0xffff, v13;
	v9 =	vadd.f32 v11, v3  }
0xfb: {  	v11 =	vld [tilespmem:s30+$0xFFFFFF90];
	v13 =	vbroadcast v5, $0x0;
	v19 =	vadd.s32 v1, v19;
	v14 =	vtrunc.f32 v14  }
0xfc: {  	[tilespmem:v10+s15+$0x0] =	vst.idx.add.f32.msk $0xffff, v24;
	v9 =	vadd.f32 $5.440000000e+02, v9;
	v10 =	vcvt.f32.s32 v14  }
0xfd: {  	v14 =	vadd.f32 v17, v3;
	[tilespmem:v22+s15+$0x0] =	vst.idx.add.f32.msk $0xffff, v13;
	v13 =	vadd.f32 v23, v3  }
0xfe: {  	v17 =	vbroadcast v15, $0x0;
	v9 =	vtrunc.f32 v9;
	v22 =	vld [tilespmem:s26+$0x10];
	v10 =	vadd.s32 v1, v10  }
0xff: {  	v24 =	vld [tilespmem:s25+$0xFFFFFF40];
	v9 =	vcvt.f32.s32 v9;
	v13 =	vadd.f32 $5.440000000e+02, v13  }
0x100: {  	v35 =	vbroadcast v18, $0xC;
	v25 =	vbroadcast v4, $0x4;
	v14 =	vadd.f32 $5.440000000e+02, v14;
	[tilespmem:v19+s15+$0x0] =	vst.idx.add.f32.msk $0xffff, v17  }
0x101: {  	v11 =	vadd.f32 v11, v3;
	v9 =	vadd.s32 v1, v9;
	v17 =	vld [tilespmem:s26+$0xFFFFFF10];
	v13 =	vtrunc.f32 v13  }
0x102: {  	v53 =	vbroadcast v18, $0xD;
	v13 =	vcvt.f32.s32 v13  }
0x103: {  	v14 =	vtrunc.f32 v14;
	v11 =	vadd.f32 $5.440000000e+02, v11;
	v22 =	vadd.f32 v22, v3;
	[tilespmem:v10+s15+$0x0] =	vst.idx.add.f32.msk $0xffff, v25  }
0x104: {  	v10 =	vcvt.f32.s32 v14;
	v14 =	vbroadcast v18, $0xB;
	v13 =	vadd.s32 v1, v13;
	v25 =	vld [tilespmem:s25+$0x50]  }
0x105: {  	v24 =	vadd.f32 v24, v3;
	v11 =	vtrunc.f32 v11;
	v22 =	vadd.f32 $5.440000000e+02, v22  }
0x106: {  	v26 =	vbroadcast v28, $0x8;
	v11 =	vcvt.f32.s32 v11;
	[tilespmem:v9+s15+$0x0] =	vst.idx.add.f32.msk $0xffff, v14;
	v9 =	vadd.f32 v17, v3  }
0x107: {  	v10 =	vadd.s32 v1, v10;
	v14 =	vadd.f32 $5.440000000e+02, v24;
	v24 =	vld [tilespmem:s30+$0xC0];
	v22 =	vtrunc.f32 v22  }
0x108: {  	v23 =	vbroadcast v7, $0x6;
	v22 =	vcvt.f32.s32 v22;
	v9 =	vadd.f32 $5.440000000e+02, v9  }
0x109: {  	v11 =	vadd.s32 v1, v11;
	v14 =	vtrunc.f32 v14;
	[tilespmem:v13+s15+$0x0] =	vst.idx.add.f32.msk $0xffff, v26;
	v25 =	vadd.f32 v25, v3  }
0x10a: {  	v13 =	vcvt.f32.s32 v14;
	v14 =	vadd.s32 v1, v22;
	v9 =	vtrunc.f32 v9;
	v27 =	vld [tilespmem:s24+$0x90]  }
0x10b: {  	v37 =	vbroadcast v28, $0x9;
	v9 =	vcvt.f32.s32 v9;
	v25 =	vadd.f32 $5.440000000e+02, v25  }
0x10c: {  	v21 =	vbroadcast v6, $0x9;
	[tilespmem:v10+s15+$0x0] =	vst.idx.add.f32.msk $0xffff, v23;
	v13 =	vadd.s32 v1, v13;
	v10 =	vadd.f32 v24, v3  }
0x10d: {  	v23 =	vld [tilespmem:s24+$0xFFFFFF70];
	v24 =	vbroadcast v5, $0x1;
	v30 =	vadd.s32 v1, v9;
	v9 =	vtrunc.f32 v25  }
0x10e: {  	v52 =	vbroadcast v28, $0xA;
	[tilespmem:v11+s15+$0x0] =	vst.idx.add.f32.msk $0xffff, v21;
	v9 =	vcvt.f32.s32 v9  }
0x10f: {  	v11 =	vbroadcast v8, $0x4;
	v21 =	vadd.f32 $5.440000000e+02, v10;
	[tilespmem:v14+s15+$0x0] =	vst.idx.add.f32.msk $0xffff, v24;
	v14 =	vadd.f32 v27, v3  }
0x110: {  	v34 =	vbroadcast v6, $0xD;
	v24 =	vbroadcast v15, $0x1;
	v25 =	vld [tilespmem:s26+$0x20];
	v27 =	vadd.s32 v1, v9  }
0x111: {  	v32 =	vbroadcast v6, $0xE;
	v21 =	vtrunc.f32 v21;
	[tilespmem:v13+s15+$0x0] =	vst.idx.add.f32.msk $0xffff, v11;
	v11 =	vadd.f32 $5.440000000e+02, v14  }
0x112: {  	v29 =	vbroadcast v7, $0x7;
	v13 =	vcvt.f32.s32 v21;
	[tilespmem:v30+s15+$0x0] =	vst.idx.add.f32.msk $0xffff, v24  }
0x113: {  	v14 =	vadd.f32 v23, v3;
	v21 =	vbroadcast v4, $0x5;
	v30 =	vld [tilespmem:s25+$0xFFFFFF50];
	v11 =	vtrunc.f32 v11  }
0x114: {  	v44 =	vbroadcast v7, $0xC;
	v23 =	vld [tilespmem:s26+$0xFFFFFF20];
	v11 =	vcvt.f32.s32 v11  }
0x115: {  	v14 =	vadd.f32 $5.440000000e+02, v14;
	v13 =	vadd.s32 v1, v13;
	v31 =	vadd.f32 v25, v3;
	[tilespmem:v27+s15+$0x0] =	vst.idx.add.f32.msk $0xffff, v21  }
0x116: {  	v59 =	vbroadcast v4, $0x6;
	v51 =	vbroadcast v4, $0x7;
	v11 =	vadd.s32 v1, v11;
	v33 =	vld [tilespmem:s25+$0x60]  }
0x117: {  	v47 =	vbroadcast v8, $0xA;
	v14 =	vtrunc.f32 v14;
	v31 =	vadd.f32 $5.440000000e+02, v31  }
0x118: {  	v41 =	vbroadcast v8, $0xB;
	v14 =	vcvt.f32.s32 v14;
	v30 =	vadd.f32 v30, v3  }
0x119: {  	v12 =	vbroadcast v6, $0xA;
	v36 =	vld [tilespmem:s30+$0xFFFFFFA0];
	v23 =	vadd.f32 v23, v3;
	v31 =	vtrunc.f32 v31  }
0x11a: {  	v14 =	vadd.s32 v1, v14;
	[tilespmem:v13+s15+$0x0] =	vst.idx.add.f32.msk $0xffff, v35;
	v30 =	vadd.f32 $5.440000000e+02, v30;
	v13 =	vcvt.f32.s32 v31  }
0x11b: {  	v16 =	vbroadcast v6, $0xB;
	v23 =	vadd.f32 $5.440000000e+02, v23;
	[tilespmem:v11+s15+$0x0] =	vst.idx.add.f32.msk $0xffff, v37;
	v31 =	vadd.f32 v33, v3  }
0x11c: {  	v20 =	vbroadcast v6, $0xC;
	v30 =	vtrunc.f32 v30;
	v13 =	vadd.s32 v1, v13;
	v54 =	vld [tilespmem:s24+$0xA0]  }
0x11d: {  	s28 =	simm.s32 $0x9A00;
	v55 =	vld [tilespmem:s30+$0xD0];
	v23 =	vtrunc.f32 v23;
	v30 =	vcvt.f32.s32 v30;
	v31 =	vadd.f32 $5.440000000e+02, v31  }
0x11e: {  	v6 =	vbroadcast v6, $0xF;
	v42 =	vld [tilespmem:s28+$0x0];
	v11 =	vadd.f32 v36, v3;
	v23 =	vcvt.f32.s32 v23  }
0x11f: {  	[tilespmem:v14+s15+$0x0] =	vst.idx.add.f32.msk $0xffff, v29;
	v14 =	vbroadcast v5, $0x2;
	v30 =	vadd.s32 v1, v30;
	v29 =	vtrunc.f32 v31  }
0x120: {  	v11 =	vadd.f32 $5.440000000e+02, v11;
	v56 =	vld [tilespmem:s24+$0xFFFFFF80];
	v23 =	vadd.s32 v1, v23;
	v29 =	vcvt.f32.s32 v29  }
0x121: {  	v45 =	vbroadcast v5, $0x3;
	v24 =	vbroadcast v8, $0x5;
	[tilespmem:v13+s15+$0x0] =	vst.idx.add.f32.msk $0xffff, v14;
	v13 =	vadd.f32 v54, v3  }
0x122: {  	v57 =	vadd.f32 v55, v3;
	v11 =	vtrunc.f32 v11;
	v58 =	vld [tilespmem:s26+$0x30];
	v29 =	vadd.s32 v1, v29  }
0x123: {  	v31 =	vbroadcast v15, $0x2;
	v11 =	vcvt.f32.s32 v11;
	v54 =	vld [tilespmem:s28+$0xFFFFFF00];
	v38 =	vadd.f32 $5.440000000e+02, v13  }
0x124: {  	v40 =	vbroadcast v15, $0x3;
	v46 =	vbroadcast v15, $0x7;
	v42 =	vadd.f32 v42, v3;
	[tilespmem:v30+s15+$0x0] =	vst.idx.add.f32.msk $0xffff, v24  }
0x125: {  	v33 =	vadd.f32 $5.440000000e+02, v57;
	v39 =	vadd.s32 v1, v11;
	[tilespmem:v23+s15+$0x0] =	vst.idx.add.f32.msk $0xffff, v31;
	v38 =	vtrunc.f32 v38  }
0x126: {  	v49 =	vbroadcast v15, $0x8;
	v23 =	vadd.f32 v56, v3;
	v31 =	vld [tilespmem:s26+$0xFFFFFF30];
	v24 =	vcvt.f32.s32 v38  }
0x127: {  	v19 =	vbroadcast v7, $0x8;
	v30 =	vtrunc.f32 v33;
	v60 =	vadd.f32 v58, v3;
	[tilespmem:v29+s15+$0x0] =	vst.idx.add.f32.msk $0xffff, v59  }
0x128: {  	v23 =	vadd.f32 $5.440000000e+02, v23;
	v29 =	vcvt.f32.s32 v30;
	v24 =	vadd.s32 v1, v24;
	v61 =	vld [tilespmem:s25+$0x70]  }
0x129: {  	s0 =	simm.s32 $0x80;
	s16 =	sadd.s32 $0x80, s22;
	v17 =	vbroadcast v7, $0x9;
	v26 =	vbroadcast v7, $0xA;
	v62 =	vld [tilespmem:s25+$0xFFFFFF60];
	v33 =	vadd.f32 $5.440000000e+02, v60  }
0x12a: {  	s0 =	sand.u32 $0x60, s0;
	s1 =	sand.u32 $0x7F80, s16;
	[tilespmem:v39+s15+$0x0] =	vst.idx.add.f32.msk $0xffff, v12;
	v39 =	vadd.f32 v54, v3;
	v23 =	vtrunc.f32 v23;
	v12 =	vadd.s32 v1, v29  }
0x12b: {  	s0 =	sor.u32 s0, s1;
	v23 =	vcvt.f32.s32 v23;
	v29 =	vadd.f32 v31, v3;
	v31 =	vtrunc.f32 v33  }
0x12c: {  	v22 =	vbroadcast v7, $0xB;
	v38 =	vld [tilespmem:s0+$0x6000];
	v39 =	vadd.f32 $5.440000000e+02, v39;
	v31 =	vcvt.f32.s32 v31  }
0x12d: {  	v23 =	vadd.s32 v1, v23;
	v43 =	vadd.f32 $5.440000000e+02, v29;
	[tilespmem:v24+s15+$0x0] =	vst.idx.add.f32.msk $0xffff, v52;
	v36 =	vadd.f32 v61, v3  }
0x12e: {  	v39 =	vtrunc.f32 v39;
	v24 =	vadd.s32 v1, v31;
	v31 =	vadd.f32 v62, v3;
	v33 =	vld [tilespmem:s24+$0xB0]  }
0x12f: {  	v39 =	vcvt.f32.s32 v39;
	[tilespmem:v12+s15+$0x0] =	vst.idx.add.f32.msk $0xffff, v53;
	v12 =	vtrunc.f32 v43;
	v36 =	vadd.f32 $5.440000000e+02, v36  }
0x130: {  	v10 =	vbroadcast v7, $0xD;
	v63 =	vld [tilespmem:s30+$0xFFFFFFB0];
	v12 =	vcvt.f32.s32 v12;
	v31 =	vadd.f32 $5.440000000e+02, v31  }
0x131: {  	v9 =	vbroadcast v7, $0xE;
	v39 =	vadd.s32 v1, v39;
	v55 =	vld [tilespmem:s30+$0xE0];
	v36 =	vtrunc.f32 v36  }
0x132: {  	[tilespmem:v23+s15+$0x0] =	vst.idx.add.f32.msk $0xffff, v19;
	v19 =	vadd.s32 v1, v12;
	v23 =	vtrunc.f32 v31;
	v31 =	vadd.f32 $5.440000000e+02, v42  }
0x133: {  	s31 =	sadd.s32 $0x10, s16;
	s29 =	simm.s32 $0x90;
	v12 =	vcvt.f32.s32 v36;
	[tilespmem:v24+s15+$0x0] =	vst.idx.add.f32.msk $0xffff, v45;
	v33 =	vadd.f32 v33, v3;
	v23 =	vcvt.f32.s32 v23  }
0x134: {  	s31 =	sand.u32 $0x7F80, s31;
	s29 =	sand.u32 $0x70, s29;
	v7 =	vbroadcast v7, $0xF;
	v56 =	vld [tilespmem:s26+$0x40];
	v31 =	vtrunc.f32 v31  }
0x135: {  	s29 =	sor.u32 s29, s31;
	v58 =	vld [tilespmem:s24+$0xFFFFFF90];
	v57 =	vadd.s32 v1, v12;
	v33 =	vadd.f32 $5.440000000e+02, v33;
	v50 =	vadd.s32 v1, v23  }
0x136: {  	v12 =	vld [tilespmem:s29+$0x6000];
	v31 =	vcvt.f32.s32 v31;
	v60 =	vadd.f32 v55, v3;
	v55 =	vbroadcast v38, $0x0  }
0x137: {  	v25 =	vbroadcast v8, $0x8;
	v21 =	vbroadcast v8, $0x6;
	[tilespmem:v19+s15+$0x0] =	vst.idx.add.f32.msk $0xffff, v40  }
0x138: {  	v48 =	vadd.f32 v63, v3;
	v33 =	vtrunc.f32 v33;
	v19 =	vadd.s32 v1, v31;
	[tilespmem:v39+s15+$0x0] =	vst.idx.add.f32.msk $0xffff, v55  }
0x139: {  	v27 =	vbroadcast v8, $0x7;
	v31 =	vcvt.f32.s32 v33;
	v61 =	vld [tilespmem:s26+$0xFFFFFF40];
	v36 =	vadd.f32 v56, v3  }
0x13a: {  	v35 =	vbroadcast v8, $0x9;
	v37 =	vbroadcast v15, $0x6;
	v59 =	vadd.f32 $5.440000000e+02, v48;
	[tilespmem:v57+s15+$0x0] =	vst.idx.add.f32.msk $0xffff, v51  }
0x13b: {  	v31 =	vadd.s32 v1, v31;
	v62 =	vbroadcast v12, $0x0;
	[tilespmem:v50+s15+$0x0] =	vst.idx.add.f32.msk $0xffff, v21;
	v36 =	vadd.f32 $5.440000000e+02, v36  }
0x13c: {  	v14 =	vbroadcast v8, $0xC;
	v40 =	vadd.f32 $5.440000000e+02, v60;
	v33 =	vtrunc.f32 v59;
	v42 =	vld [tilespmem:s25+$0x80]  }
0x13d: {  	v33 =	vcvt.f32.s32 v33;
	v21 =	vadd.f32 v58, v3;
	[tilespmem:v19+s15+$0x0] =	vst.idx.add.f32.msk $0xffff, v62;
	v36 =	vtrunc.f32 v36  }
0x13e: {  	v63 =	vbroadcast v28, $0xB;
	v53 =	vld [tilespmem:s28+$0x10];
	v36 =	vcvt.f32.s32 v36  }
0x13f: {  	v52 =	vtrunc.f32 v40;
	v19 =	vadd.s32 v1, v33;
	v54 =	vadd.f32 $5.440000000e+02, v21;
	v62 =	vld [tilespmem:s25+$0xFFFFFF70]  }
0x140: {  	v56 =	vadd.f32 v61, v3;
	[tilespmem:v31+s15+$0x0] =	vst.idx.add.f32.msk $0xffff, v63;
	v31 =	vcvt.f32.s32 v52;
	v36 =	vadd.s32 v1, v36  }
0x141: {  	v11 =	vbroadcast v8, $0xE;
	v58 =	vtrunc.f32 v54;
	v42 =	vadd.f32 v42, v3;
	v57 =	vld [tilespmem:s24+$0xC0]  }
0x142: {  	v61 =	vld [tilespmem:s28+$0xFFFFFF10];
	v60 =	vcvt.f32.s32 v58;
	v33 =	vadd.f32 $5.440000000e+02, v56;
	v31 =	vadd.s32 v1, v31  }
0x143: {  	v63 =	vbroadcast v5, $0x4;
	v59 =	vadd.f32 $5.440000000e+02, v42;
	v40 =	vadd.f32 v53, v3  }
0x144: {  	[tilespmem:v19+s15+$0x0] =	vst.idx.add.f32.msk $0xffff, v16;
	v16 =	vbroadcast v18, $0xE;
	v33 =	vtrunc.f32 v33;
	v42 =	vadd.s32 v1, v60  }
0x145: {  	v33 =	vcvt.f32.s32 v33;
	v39 =	vtrunc.f32 v59;
	v52 =	vadd.f32 $5.440000000e+02, v40;
	[tilespmem:v36+s15+$0x0] =	vst.idx.add.f32.msk $0xffff, v63  }
0x146: {  	v39 =	vcvt.f32.s32 v39;
	v53 =	vadd.f32 v57, v3;
	v57 =	vadd.f32 v62, v3;
	v62 =	vld [tilespmem:s30+$0xFFFFFFC0]  }
0x147: {  	v13 =	vbroadcast v8, $0xD;
	v33 =	vadd.s32 v1, v33;
	[tilespmem:v31+s15+$0x0] =	vst.idx.add.f32.msk $0xffff, v16;
	v16 =	vadd.f32 v61, v3  }
0x148: {  	v54 =	vld [tilespmem:s26+$0x50];
	v31 =	vtrunc.f32 v52;
	v39 =	vadd.s32 v1, v39;
	v55 =	vadd.f32 $5.440000000e+02, v53  }
0x149: {  	v8 =	vbroadcast v8, $0xF;
	v56 =	vld [tilespmem:s30+$0xF0];
	v31 =	vcvt.f32.s32 v31  }
0x14a: {  	v30 =	vbroadcast v15, $0x4;
	[tilespmem:v42+s15+$0x0] =	vst.idx.add.f32.msk $0xffff, v17;
	v16 =	vadd.f32 $5.440000000e+02, v16;
	v36 =	vtrunc.f32 v55  }
0x14b: {  	v58 =	vbroadcast v4, $0x8;
	v59 =	vld [tilespmem:s24+$0xFFFFFFA0];
	v31 =	vadd.s32 v1, v31;
	v36 =	vcvt.f32.s32 v36  }
0x14c: {  	v29 =	vbroadcast v15, $0x5;
	[tilespmem:v33+s15+$0x0] =	vst.idx.add.f32.msk $0xffff, v30;
	v60 =	vtrunc.f32 v16  }
0x14d: {  	v43 =	vadd.f32 v54, v3;
	v61 =	vcvt.f32.s32 v60;
	[tilespmem:v39+s15+$0x0] =	vst.idx.add.f32.msk $0xffff, v58;
	v36 =	vadd.s32 v1, v36  }
0x14e: {  	v48 =	vbroadcast v18, $0xF;
	v63 =	vbroadcast v12, $0x1;
	v45 =	vadd.f32 $5.440000000e+02, v57;
	v42 =	vld [tilespmem:s25+$0x90]  }
0x14f: {  	v51 =	vbroadcast v38, $0x2;
	v57 =	vld [tilespmem:s26+$0xFFFFFF50];
	v43 =	vadd.f32 $5.440000000e+02, v43;
	v30 =	vadd.s32 v1, v61  }
0x150: {  	v53 =	vbroadcast v28, $0xC;
	v45 =	vtrunc.f32 v45;
	[tilespmem:v31+s15+$0x0] =	vst.idx.add.f32.msk $0xffff, v63  }
0x151: {  	v45 =	vcvt.f32.s32 v45;
	v52 =	vadd.f32 v59, v3;
	v31 =	vtrunc.f32 v43;
	v55 =	vld [tilespmem:s28+$0x20]  }
0x152: {  	v54 =	vbroadcast v38, $0x1;
	v40 =	vadd.f32 v56, v3;
	v31 =	vcvt.f32.s32 v31;
	[tilespmem:v36+s15+$0x0] =	vst.idx.add.f32.msk $0xffff, v53  }
0x153: {  	v45 =	vadd.s32 v1, v45;
	v33 =	vadd.f32 $5.440000000e+02, v52;
	v42 =	vadd.f32 v42, v3;
	v39 =	vld [tilespmem:s24+$0xD0]  }
0x154: {  	v50 =	vbroadcast v38, $0x5;
	v56 =	vadd.f32 v62, v3;
	v31 =	vadd.s32 v1, v31;
	[tilespmem:v30+s15+$0x0] =	vst.idx.add.f32.msk $0xffff, v54  }
0x155: {  	v59 =	vbroadcast v5, $0x5;
	v33 =	vtrunc.f32 v33;
	v43 =	vld [tilespmem:s28+$0xFFFFFF20];
	v30 =	vadd.f32 $5.440000000e+02, v42  }
0x156: {  	v40 =	vadd.f32 $5.440000000e+02, v40;
	v36 =	vadd.f32 $5.440000000e+02, v56;
	v33 =	vcvt.f32.s32 v33  }
0x157: {  	v52 =	vbroadcast v4, $0x9;
	v58 =	vadd.f32 v55, v3;
	v30 =	vtrunc.f32 v30  }
0x158: {  	[tilespmem:v45+s15+$0x0] =	vst.idx.add.f32.msk $0xffff, v27;
	v60 =	vtrunc.f32 v36;
	v27 =	vcvt.f32.s32 v30;
	v30 =	vadd.s32 v1, v33  }
0x159: {  	v61 =	vadd.f32 $5.440000000e+02, v58;
	[tilespmem:v31+s15+$0x0] =	vst.idx.add.f32.msk $0xffff, v59;
	v31 =	vadd.f32 v39, v3;
	v33 =	vcvt.f32.s32 v60  }
0x15a: {  	v56 =	vadd.f32 v57, v3;
	v55 =	vadd.f32 v43, v3;
	v27 =	vadd.s32 v1, v27  }
0x15b: {  	v62 =	vld [tilespmem:s26+$0x60];
	v36 =	vtrunc.f32 v61;
	v31 =	vadd.f32 $5.440000000e+02, v31;
	v33 =	vadd.s32 v1, v33  }
0x15c: {  	v40 =	vtrunc.f32 v40;
	v63 =	vld [tilespmem:s25+$0xFFFFFF80];
	v36 =	vcvt.f32.s32 v36;
	v57 =	vadd.f32 $5.440000000e+02, v55  }
0x15d: {  	v42 =	vcvt.f32.s32 v40;
	v58 =	vadd.f32 $5.440000000e+02, v56;
	[tilespmem:v30+s15+$0x0] =	vst.idx.add.f32.msk $0xffff, v26;
	v26 =	vtrunc.f32 v31  }
0x15e: {  	v30 =	vadd.s32 v1, v36;
	v59 =	vtrunc.f32 v57;
	v31 =	vld [tilespmem:s24+$0xFFFFFFB0];
	v26 =	vcvt.f32.s32 v26  }
0x15f: {  	v36 =	vtrunc.f32 v58;
	v43 =	vcvt.f32.s32 v59;
	[tilespmem:v27+s15+$0x0] =	vst.idx.add.f32.msk $0xffff, v52  }
0x160: {  	v45 =	vadd.f32 v62, v3;
	v36 =	vcvt.f32.s32 v36;
	[tilespmem:v33+s15+$0x0] =	vst.idx.add.f32.msk $0xffff, v20;
	v26 =	vadd.s32 v1, v26  }
0x161: {  	v40 =	vbroadcast v38, $0x3;
	v20 =	vbroadcast v12, $0x2;
	v60 =	vld [tilespmem:s25+$0xA0];
	v43 =	vadd.s32 v1, v43  }
0x162: {  	v27 =	vadd.f32 v63, v3;
	v61 =	vadd.f32 $5.440000000e+02, v45;
	v62 =	vld [tilespmem:s30+$0xFFFFFFD0];
	v63 =	vadd.s32 v1, v36  }
0x163: {  	v39 =	vbroadcast v38, $0x4;
	[tilespmem:v30+s15+$0x0] =	vst.idx.add.f32.msk $0xffff, v20;
	v30 =	vadd.f32 v31, v3;
	v31 =	vbroadcast v28, $0xD  }
0x164: {  	v33 =	vbroadcast v38, $0x7;
	v27 =	vadd.f32 $5.440000000e+02, v27;
	v20 =	vtrunc.f32 v61;
	v53 =	vld [tilespmem:s28+$0x30]  }
0x165: {  	v36 =	vbroadcast v38, $0x6;
	v20 =	vcvt.f32.s32 v20;
	[tilespmem:v26+s15+$0x0] =	vst.idx.add.f32.msk $0xffff, v31  }
0x166: {  	v27 =	vtrunc.f32 v27;
	v56 =	vadd.f32 v60, v3;
	v30 =	vadd.f32 $5.440000000e+02, v30;
	[tilespmem:v43+s15+$0x0] =	vst.idx.add.f32.msk $0xffff, v51  }
0x167: {  	v18 =	vcvt.f32.s32 v27;
	v20 =	vadd.s32 v1, v20;
	[tilespmem:v63+s15+$0x0] =	vst.idx.add.f32.msk $0xffff, v29;
	v29 =	vbroadcast v5, $0x6  }
0x168: {  	v31 =	vbroadcast v38, $0x8;
	v26 =	vld [tilespmem:s24+$0xE0];
	v27 =	vadd.f32 $5.440000000e+02, v56;
	v30 =	vtrunc.f32 v30  }
0x169: {  	v45 =	vadd.f32 v62, v3;
	v18 =	vadd.s32 v1, v18;
	v43 =	vld [tilespmem:s28+$0xFFFFFF30];
	v30 =	vcvt.f32.s32 v30  }
0x16a: {  	s29 =	simm.s32 $0x9C00;
	v63 =	vbroadcast v12, $0x3;
	v52 =	vld [tilespmem:s26+$0xFFFFFF60];
	v57 =	vadd.f32 v53, v3;
	v27 =	vtrunc.f32 v27  }
0x16b: {  	v62 =	vld [tilespmem:s29+$0xFFFFFF00];
	v58 =	vcvt.f32.s32 v27;
	v54 =	vadd.s32 v1, v30;
	v30 =	vbroadcast v38, $0x9  }
0x16c: {  	v51 =	vadd.f32 $5.440000000e+02, v57;
	[tilespmem:v20+s15+$0x0] =	vst.idx.add.f32.msk $0xffff, v29;
	v29 =	vbroadcast v38, $0xA;
	v27 =	vbroadcast v38, $0xB  }
0x16d: {  	v57 =	vbroadcast v4, $0xA;
	v20 =	vadd.f32 v26, v3;
	v55 =	vld [tilespmem:s26+$0x70];
	v53 =	vadd.s32 v1, v58  }
0x16e: {  	v26 =	vbroadcast v38, $0xC;
	[tilespmem:v18+s15+$0x0] =	vst.idx.add.f32.msk $0xffff, v25;
	v25 =	vbroadcast v38, $0xD;
	v43 =	vadd.f32 v43, v3  }
0x16f: {  	v52 =	vadd.f32 v52, v3;
	v51 =	vtrunc.f32 v51;
	v56 =	vld [tilespmem:s25+$0xFFFFFF90];
	v18 =	vadd.f32 $5.440000000e+02, v20  }
0x170: {  	v42 =	vadd.s32 v1, v42;
	v51 =	vcvt.f32.s32 v51;
	v20 =	vbroadcast v38, $0xE;
	[tilespmem:v54+s15+$0x0] =	vst.idx.add.f32.msk $0xffff, v22  }
0x171: {  	v60 =	vadd.f32 $5.440000000e+02, v43;
	v52 =	vadd.f32 $5.440000000e+02, v52;
	v18 =	vtrunc.f32 v18;
	v22 =	vld [tilespmem:s29+$0x0]  }
0x172: {  	v51 =	vadd.s32 v1, v51;
	v59 =	vcvt.f32.s32 v18;
	v61 =	vadd.f32 v55, v3;
	[tilespmem:v53+s15+$0x0] =	vst.idx.add.f32.msk $0xffff, v57  }
0x173: {  	v52 =	vtrunc.f32 v52;
	v18 =	vbroadcast v38, $0xF;
	v53 =	vld [tilespmem:s25+$0xB0]  }
0x174: {  	v38 =	vtrunc.f32 v60;
	v54 =	vadd.s32 v1, v59;
	v43 =	vadd.f32 $5.440000000e+02, v61  }
0x175: {  	[tilespmem:v42+s15+$0x0] =	vst.idx.add.f32.msk $0xffff, v48;
	v60 =	vbroadcast v28, $0xE;
	v52 =	vcvt.f32.s32 v52  }
0x176: {  	v58 =	vld [tilespmem:s24+$0xFFFFFFC0];
	v38 =	vcvt.f32.s32 v38;
	v22 =	vadd.f32 v22, v3;
	v43 =	vtrunc.f32 v43  }
0x177: {  	s13 =	simm.s32 $0xB0;
	s31 =	simm.s32 $0xA0;
	s1 =	sadd.s32 $0xA0, s22;
	v55 =	vadd.f32 v62, v3;
	v56 =	vadd.f32 v56, v3;
	[tilespmem:v51+s15+$0x0] =	vst.idx.add.f32.msk $0xffff, v63;
	v43 =	vcvt.f32.s32 v43  }
0x178: {  	s16 =	sand.u32 $0x60, s31;
	s11 =	sand.u32 $0x7F80, s1;
	s0 =	sadd.s32 $0x10, s1;
	v38 =	vadd.s32 v1, v38;
	v57 =	vld [tilespmem:s28+$0x40];
	v22 =	vadd.f32 $5.440000000e+02, v22;
	v53 =	vadd.f32 v53, v3  }
0x179: {  	s1 =	sor.u32 s16, s11;
	s16 =	sand.u32 $0x70, s13;
	s0 =	sand.u32 $0x7F80, s0;
	v24 =	vbroadcast v15, $0x9;
	v52 =	vadd.s32 v1, v52;
	[tilespmem:v54+s15+$0x0] =	vst.idx.add.f32.msk $0xffff, v60;
	v43 =	vadd.s32 v1, v43  }
0x17a: {  	s0 =	sor.u32 s16, s0;
	v55 =	vadd.f32 $5.440000000e+02, v55;
	v54 =	vld [tilespmem:s24+$0xF0];
	v59 =	vtrunc.f32 v22;
	v53 =	vadd.f32 $5.440000000e+02, v53  }
0x17b: {  	v45 =	vadd.f32 $5.440000000e+02, v45;
	v61 =	vbroadcast v5, $0x7;
	v22 =	vld [tilespmem:s0+$0x6000];
	v59 =	vcvt.f32.s32 v59  }
0x17c: {  	v51 =	vld [tilespmem:s1+$0x6000];
	v63 =	vadd.f32 $5.440000000e+02, v56;
	v55 =	vtrunc.f32 v55;
	v62 =	vtrunc.f32 v53  }
0x17d: {  	[tilespmem:v38+s15+$0x0] =	vst.idx.add.f32.msk $0xffff, v40;
	v57 =	vadd.f32 v57, v3;
	v56 =	vadd.s32 v1, v59;
	v40 =	vcvt.f32.s32 v62  }
0x17e: {  	v45 =	vtrunc.f32 v45;
	[tilespmem:v43+s15+$0x0] =	vst.idx.add.f32.msk $0xffff, v61;
	v61 =	vcvt.f32.s32 v55  }
0x17f: {  	v60 =	vtrunc.f32 v63;
	[tilespmem:v52+s15+$0x0] =	vst.idx.add.f32.msk $0xffff, v37;
	v63 =	vadd.f32 $5.440000000e+02, v57;
	v40 =	vadd.s32 v1, v40  }
0x180: {  	v53 =	vld [tilespmem:s26+$0x80];
	v62 =	vadd.f32 v54, v3;
	v57 =	vbroadcast v22, $0x0;
	v37 =	vadd.s32 v1, v61  }
0x181: {  	v23 =	vbroadcast v15, $0xA;
	v45 =	vcvt.f32.s32 v45;
	v59 =	vld [tilespmem:s28+$0xFFFFFF40]  }
0x182: {  	v38 =	vcvt.f32.s32 v60;
	v61 =	vbroadcast v4, $0xB;
	v42 =	vadd.f32 $5.440000000e+02, v62;
	[tilespmem:v56+s15+$0x0] =	vst.idx.add.f32.msk $0xffff, v57  }
0x183: {  	v45 =	vadd.s32 v1, v45;
	v60 =	vtrunc.f32 v63;
	v62 =	vbroadcast v51, $0x0;
	v56 =	vld [tilespmem:s29+$0x10]  }
0x184: {  	v38 =	vadd.s32 v1, v38;
	v43 =	vcvt.f32.s32 v60;
	v42 =	vtrunc.f32 v42;
	[tilespmem:v40+s15+$0x0] =	vst.idx.add.f32.msk $0xffff, v61  }
0x185: {  	v21 =	vbroadcast v15, $0xB;
	v53 =	vadd.f32 v53, v3;
	v60 =	vcvt.f32.s32 v42;
	[tilespmem:v37+s15+$0x0] =	vst.idx.add.f32.msk $0xffff, v62  }
0x186: {  	v19 =	vbroadcast v15, $0xC;
	v63 =	vadd.f32 v59, v3;
	v43 =	vadd.s32 v1, v43;
	v59 =	vld [tilespmem:s25+$0xC0]  }
0x187: {  	v28 =	vbroadcast v28, $0xF;
	v37 =	vadd.f32 $5.440000000e+02, v53;
	v40 =	vadd.s32 v1, v60;
	v54 =	vld [tilespmem:s29+$0xFFFFFF10]  }
0x188: {  	[tilespmem:v45+s15+$0x0] =	vst.idx.add.f32.msk $0xffff, v34;
	v52 =	vbroadcast v51, $0x2;
	v48 =	vbroadcast v51, $0x3;
	v53 =	vadd.f32 $5.440000000e+02, v63  }
0x189: {  	[tilespmem:v38+s15+$0x0] =	vst.idx.add.f32.msk $0xffff, v35;
	v60 =	vbroadcast v12, $0x4;
	v56 =	vadd.f32 v56, v3;
	v37 =	vtrunc.f32 v37  }
0x18a: {  	v57 =	vld [tilespmem:s26+$0xFFFFFF70];
	v53 =	vtrunc.f32 v53;
	v35 =	vcvt.f32.s32 v37  }
0x18b: {  	[tilespmem:v43+s15+$0x0] =	vst.idx.add.f32.msk $0xffff, v60;
	v53 =	vcvt.f32.s32 v53;
	v61 =	vadd.f32 $5.440000000e+02, v56;
	v62 =	vadd.f32 v59, v3  }
0x18c: {  	v45 =	vbroadcast v51, $0x6;
	v35 =	vadd.s32 v1, v35;
	[tilespmem:v40+s15+$0x0] =	vst.idx.add.f32.msk $0xffff, v28;
	v28 =	vadd.f32 v54, v3  }
0x18d: {  	v63 =	vld [tilespmem:s28+$0x50];
	v53 =	vadd.s32 v1, v53;
	v37 =	vtrunc.f32 v61;
	v38 =	vadd.f32 $5.440000000e+02, v62  }
0x18e: {  	v55 =	vadd.f32 v58, v3;
	v37 =	vcvt.f32.s32 v37;
	v28 =	vadd.f32 $5.440000000e+02, v28  }
0x18f: {  	v60 =	vbroadcast v5, $0x8;
	v59 =	vadd.f32 v57, v3;
	v54 =	vld [tilespmem:s25+$0xFFFFFFA0];
	v38 =	vtrunc.f32 v38  }
0x190: {  	v57 =	vld [tilespmem:s30+$0xFFFFFFE0];
	v37 =	vadd.s32 v1, v37;
	v28 =	vtrunc.f32 v28;
	v38 =	vcvt.f32.s32 v38  }
0x191: {  	v58 =	vbroadcast v51, $0x1;
	v55 =	vadd.f32 $5.440000000e+02, v55;
	[tilespmem:v35+s15+$0x0] =	vst.idx.add.f32.msk $0xffff, v60;
	v28 =	vcvt.f32.s32 v28  }
0x192: {  	v40 =	vadd.f32 $5.440000000e+02, v59;
	v56 =	vadd.f32 v63, v3;
	[tilespmem:v53+s15+$0x0] =	vst.idx.add.f32.msk $0xffff, v39;
	v59 =	vadd.s32 v1, v38  }
0x193: {  	v55 =	vtrunc.f32 v55;
	v60 =	vbroadcast v22, $0x1;
	v35 =	vld [tilespmem:s26+$0x90];
	v28 =	vadd.s32 v1, v28  }
0x194: {  	v55 =	vcvt.f32.s32 v55;
	v42 =	vbroadcast v51, $0x4;
	v62 =	vadd.f32 $5.440000000e+02, v56;
	v53 =	vld [tilespmem:s28+$0xFFFFFF50]  }
0x195: {  	v61 =	vtrunc.f32 v40;
	v54 =	vadd.f32 v54, v3;
	v56 =	vbroadcast v4, $0xC;
	[tilespmem:v37+s15+$0x0] =	vst.idx.add.f32.msk $0xffff, v60  }
0x196: {  	v55 =	vadd.s32 v1, v55;
	v34 =	vcvt.f32.s32 v61;
	v37 =	vtrunc.f32 v62;
	v60 =	vld [tilespmem:s29+$0x20]  }
0x197: {  	v63 =	vadd.f32 v57, v3;
	v54 =	vadd.f32 $5.440000000e+02, v54;
	v37 =	vcvt.f32.s32 v37;
	[tilespmem:v59+s15+$0x0] =	vst.idx.add.f32.msk $0xffff, v56  }
0x198: {  	v43 =	vbroadcast v51, $0x5;
	v34 =	vadd.s32 v1, v34;
	v35 =	vadd.f32 v35, v3;
	[tilespmem:v28+s15+$0x0] =	vst.idx.add.f32.msk $0xffff, v58  }
0x199: {  	v40 =	vbroadcast v51, $0x7;
	v54 =	vtrunc.f32 v54;
	v57 =	vadd.s32 v1, v37;
	v59 =	vld [tilespmem:s25+$0xD0]  }
0x19a: {  	v56 =	vadd.f32 $5.440000000e+02, v63;
	v28 =	vadd.f32 $5.440000000e+02, v35;
	v35 =	vcvt.f32.s32 v54;
	v54 =	vld [tilespmem:s29+$0xFFFFFF20]  }
0x19b: {  	[tilespmem:v55+s15+$0x0] =	vst.idx.add.f32.msk $0xffff, v44;
	v39 =	vbroadcast v51, $0x9;
	v38 =	vbroadcast v51, $0x8;
	v44 =	vadd.f32 v53, v3  }
0x19c: {  	v56 =	vtrunc.f32 v56;
	v58 =	vadd.f32 v60, v3;
	v60 =	vbroadcast v12, $0x5  }
0x19d: {  	[tilespmem:v34+s15+$0x0] =	vst.idx.add.f32.msk $0xffff, v46;
	v28 =	vtrunc.f32 v28;
	v34 =	vadd.s32 v1, v35;
	v56 =	vcvt.f32.s32 v56  }
0x19e: {  	v28 =	vcvt.f32.s32 v28;
	v58 =	vadd.f32 $5.440000000e+02, v58;
	[tilespmem:v57+s15+$0x0] =	vst.idx.add.f32.msk $0xffff, v60;
	v60 =	vadd.f32 v59, v3  }
0x19f: {  	v37 =	vbroadcast v51, $0xA;
	v56 =	vadd.s32 v1, v56;
	v59 =	vld [tilespmem:s28+$0x60];
	v54 =	vadd.f32 v54, v3  }
0x1a0: {  	v61 =	vld [tilespmem:s26+$0xFFFFFF80];
	v28 =	vadd.s32 v1, v28;
	v58 =	vtrunc.f32 v58;
	v57 =	vadd.f32 $5.440000000e+02, v60  }
0x1a1: {  	v55 =	vld [tilespmem:s24+$0xFFFFFFD0];
	v46 =	vbroadcast v51, $0xB;
	v62 =	vcvt.f32.s32 v58;
	v54 =	vadd.f32 $5.440000000e+02, v54  }
0x1a2: {  	v63 =	vbroadcast v5, $0x9;
	v44 =	vadd.f32 $5.440000000e+02, v44;
	[tilespmem:v34+s15+$0x0] =	vst.idx.add.f32.msk $0xffff, v47;
	v60 =	vtrunc.f32 v57  }
0x1a3: {  	v53 =	vadd.s32 v1, v62;
	v57 =	vld [tilespmem:s25+$0xFFFFFFB0];
	v54 =	vtrunc.f32 v54;
	v47 =	vcvt.f32.s32 v60  }
0x1a4: {  	v35 =	vbroadcast v51, $0xC;
	[tilespmem:v56+s15+$0x0] =	vst.idx.add.f32.msk $0xffff, v32;
	v59 =	vadd.f32 v59, v3;
	v54 =	vcvt.f32.s32 v54  }
0x1a5: {  	v44 =	vtrunc.f32 v44;
	[tilespmem:v28+s15+$0x0] =	vst.idx.add.f32.msk $0xffff, v63;
	v28 =	vadd.f32 v61, v3;
	v47 =	vadd.s32 v1, v47  }
0x1a6: {  	v34 =	vbroadcast v51, $0xD;
	v60 =	vbroadcast v22, $0x2;
	v58 =	vld [tilespmem:s26+$0xA0];
	v54 =	vadd.s32 v1, v54  }
0x1a7: {  	v61 =	vcvt.f32.s32 v44;
	v56 =	vld [tilespmem:s30+$0xFFFFFFF0];
	v59 =	vadd.f32 $5.440000000e+02, v59;
	v44 =	vadd.f32 $5.440000000e+02, v28  }
0x1a8: {  	v32 =	vadd.f32 v55, v3;
	[tilespmem:v53+s15+$0x0] =	vst.idx.add.f32.msk $0xffff, v60;
	v53 =	vadd.f32 v57, v3;
	v57 =	vbroadcast v4, $0xD  }
0x1a9: {  	v28 =	vtrunc.f32 v59;
	v59 =	vadd.s32 v1, v61;
	v44 =	vtrunc.f32 v44;
	v55 =	vld [tilespmem:s29+$0x30]  }
0x1aa: {  	v60 =	vcvt.f32.s32 v28;
	v28 =	vbroadcast v51, $0xE;
	v53 =	vadd.f32 $5.440000000e+02, v53;
	[tilespmem:v47+s15+$0x0] =	vst.idx.add.f32.msk $0xffff, v57  }
0x1ab: {  	v47 =	vadd.f32 $5.440000000e+02, v32;
	v32 =	vbroadcast v51, $0xF;
	v51 =	vadd.f32 v58, v3;
	[tilespmem:v54+s15+$0x0] =	vst.idx.add.f32.msk $0xffff, v52  }
0x1ac: {  	v44 =	vcvt.f32.s32 v44;
	v57 =	vadd.s32 v1, v60;
	v60 =	vld [tilespmem:s25+$0xE0];
	v52 =	vtrunc.f32 v53  }
0x1ad: {  	v17 =	vbroadcast v15, $0xD;
	v62 =	vcvt.f32.s32 v52;
	v51 =	vadd.f32 $5.440000000e+02, v51  }
0x1ae: {  	v16 =	vbroadcast v15, $0xE;
	v58 =	vadd.s32 v1, v44;
	v61 =	vld [tilespmem:s29+$0xFFFFFF30];
	v52 =	vadd.f32 v55, v3  }
0x1af: {  	v63 =	vbroadcast v12, $0x6;
	[tilespmem:v59+s15+$0x0] =	vst.idx.add.f32.msk $0xffff, v50;
	v59 =	vadd.s32 v1, v62;
	v62 =	vtrunc.f32 v51  }
0x1b0: {  	v55 =	vadd.f32 v56, v3;
	v54 =	vld [tilespmem:s28+$0xFFFFFF60];
	v51 =	vadd.f32 $5.440000000e+02, v52;
	v52 =	vcvt.f32.s32 v62  }
0x1b1: {  	v15 =	vbroadcast v15, $0xF;
	v47 =	vtrunc.f32 v47;
	[tilespmem:v57+s15+$0x0] =	vst.idx.add.f32.msk $0xffff, v63;
	v63 =	vadd.f32 v60, v3  }
0x1b2: {  	v47 =	vcvt.f32.s32 v47;
	v53 =	vld [tilespmem:s28+$0x70];
	v60 =	vadd.f32 $5.440000000e+02, v55;
	v50 =	vadd.s32 v1, v52  }
0x1b3: {  	[tilespmem:v58+s15+$0x0] =	vst.idx.add.f32.msk $0xffff, v49;
	v62 =	vadd.f32 v61, v3;
	v51 =	vtrunc.f32 v51;
	v63 =	vadd.f32 $5.440000000e+02, v63  }
0x1b4: {  	v44 =	vadd.s32 v1, v47;
	v52 =	vld [tilespmem:s26+$0xFFFFFF90];
	v55 =	vcvt.f32.s32 v51;
	v47 =	vtrunc.f32 v60  }
0x1b5: {  	s1 =	simm.s32 $0x9E00;
	s30 =	simm.s32 $0xA;
	v56 =	vadd.f32 $5.440000000e+02, v62;
	v51 =	vbroadcast v5, $0xA;
	[tilespmem:v59+s15+$0x0] =	vst.idx.add.f32.msk $0xffff, v41;
	v49 =	vtrunc.f32 v63  }
.LBB2_11:
0x1b6: {  	v57 =	vld [tilespmem:s1+$0x0];
	v55 =	vadd.s32 v1, v55;
	v54 =	vadd.f32 v54, v3;
	v49 =	vcvt.f32.s32 v49;
	v41 =	vmovc v46  }
0x1b7: {  	v47 =	vcvt.f32.s32 v47;
	v46 =	vtrunc.f32 v56;
	v53 =	vadd.f32 v53, v3;
	[tilespmem:v50+s15+$0x0] =	vst.idx.add.f32.msk $0xffff, v51  }
0x1b8: {  	s30 =	sadd.s32 $0x2, s30;
	v46 =	vcvt.f32.s32 v46;
	v50 =	vadd.f32 $5.440000000e+02, v54;
	v51 =	vld [tilespmem:s26+$0xB0];
	v49 =	vadd.s32 v1, v49  }
0x1b9: {  	p1 =	slt.u32 s30, $0x16;
	v56 =	vbroadcast v22, $0x3;
	v54 =	vld [tilespmem:s1+$0xFFFFFF00];
	v53 =	vadd.f32 $5.440000000e+02, v53;
	v52 =	vadd.f32 v52, v3  }
0x1ba: {  	v58 =	vadd.s32 v1, v46;
	v50 =	vtrunc.f32 v50;
	v59 =	vld [tilespmem:s25+$0xFFFFFFC0];
	v46 =	vadd.s32 v1, v47  }
0x1bb: {  	s31 =	sadd.s32 $0x20, s31;
	v47 =	vadd.f32 v57, v3;
	[tilespmem:v55+s15+$0x0] =	vst.idx.add.f32.msk $0xffff, v56;
	v53 =	vtrunc.f32 v53;
	v55 =	vbroadcast v4, $0xE  }
0x1bc: {  	s0 =	sadd.s32 s31, s22;
	s11 =	sand.u32 $0x60, s31;
	v50 =	vcvt.f32.s32 v50;
	v52 =	vadd.f32 $5.440000000e+02, v52;
	v56 =	vld [tilespmem:s29+$0x40];
	v53 =	vcvt.f32.s32 v53  }
0x1bd: {  	s16 =	sadd.s32 $0x10, s31;
	s13 =	sand.u32 $0x7F80, s0;
	s0 =	sadd.s32 $0x10, s0;
	v57 =	vadd.f32 $5.440000000e+02, v47;
	v51 =	vadd.f32 v51, v3;
	[tilespmem:v49+s15+$0x0] =	vst.idx.add.f32.msk $0xffff, v55  }
0x1be: {  	s11 =	sor.u32 s11, s13;
	s0 =	sand.u32 $0x7F80, s0;
	s13 =	sand.u32 $0x70, s16;
	v50 =	vadd.s32 v1, v50;
	v49 =	vadd.f32 v54, v3;
	v53 =	vadd.s32 v1, v53;
	v54 =	vld [tilespmem:s25+$0xF0]  }
0x1bf: {  	s0 =	sor.u32 s13, s0;
	v52 =	vtrunc.f32 v52;
	v47 =	vld [tilespmem:s11+$0x6000];
	v55 =	vtrunc.f32 v57;
	v51 =	vadd.f32 $5.440000000e+02, v51  }
0x1c0: {  	v52 =	vcvt.f32.s32 v52;
	v49 =	vadd.f32 $5.440000000e+02, v49;
	v57 =	vld [tilespmem:s0+$0x6000];
	v55 =	vcvt.f32.s32 v55  }
0x1c1: {  	[tilespmem:v58+s15+$0x0] =	vst.idx.add.f32.msk $0xffff, v48;
	v48 =	vbroadcast v12, $0x7;
	v51 =	vtrunc.f32 v51;
	v58 =	vadd.f32 v59, v3  }
0x1c2: {  	v56 =	vadd.f32 v56, v3;
	v55 =	vadd.s32 v1, v55;
	v59 =	vld [tilespmem:s29+$0xFFFFFF40];
	v51 =	vcvt.f32.s32 v51  }
0x1c3: {  	v52 =	vadd.s32 v1, v52;
	v49 =	vtrunc.f32 v49;
	[tilespmem:v53+s15+$0x0] =	vst.idx.add.f32.msk $0xffff, v48;
	v48 =	vadd.f32 v54, v3  }
0x1c4: {  	v49 =	vcvt.f32.s32 v49;
	v53 =	vadd.f32 $5.440000000e+02, v56;
	v54 =	vld [tilespmem:s28+$0x80];
	v51 =	vadd.s32 v1, v51  }
0x1c5: {  	v56 =	vbroadcast v47, $0x0;
	v60 =	vbroadcast v57, $0x0;
	[tilespmem:v50+s15+$0x0] =	vst.idx.add.f32.msk $0xffff, v36;
	v48 =	vadd.f32 $5.440000000e+02, v48;
	v36 =	vmovc v45  }
0x1c6: {  	v61 =	vbroadcast v5, $0xB;
	v45 =	vadd.s32 v1, v49;
	v49 =	vtrunc.f32 v53;
	v53 =	vld [tilespmem:s28+$0xFFFFFF70]  }
0x1c7: {  	v49 =	vcvt.f32.s32 v49;
	[tilespmem:v55+s15+$0x0] =	vst.idx.add.f32.msk $0xffff, v60;
	v55 =	vadd.f32 v59, v3;
	v48 =	vtrunc.f32 v48  }
0x1c8: {  	v58 =	vadd.f32 $5.440000000e+02, v58;
	v59 =	vbroadcast v47, $0x1;
	v60 =	vld [tilespmem:s1+$0x10];
	v62 =	vcvt.f32.s32 v48  }
0x1c9: {  	v50 =	vbroadcast v47, $0x2;
	v63 =	vadd.s32 v1, v49;
	v54 =	vadd.f32 v54, v3;
	[tilespmem:v51+s15+$0x0] =	vst.idx.add.f32.msk $0xffff, v61  }
0x1ca: {  	v48 =	vbroadcast v47, $0x3;
	v51 =	vadd.f32 $5.440000000e+02, v55;
	v55 =	vld [tilespmem:s26+$0xC0];
	v61 =	vadd.s32 v1, v62  }
0x1cb: {  	v49 =	vbroadcast v47, $0x5;
	[tilespmem:v45+s15+$0x0] =	vst.idx.add.f32.msk $0xffff, v56;
	v56 =	vbroadcast v47, $0x4;
	v45 =	vadd.f32 $5.440000000e+02, v54  }
0x1cc: {  	v62 =	vbroadcast v22, $0x4;
	v51 =	vtrunc.f32 v51;
	v53 =	vadd.f32 v53, v3;
	v54 =	vld [tilespmem:s1+$0xFFFFFF10]  }
0x1cd: {  	[tilespmem:v52+s15+$0x0] =	vst.idx.add.f32.msk $0xffff, v24;
	v24 =	vbroadcast v4, $0xF  }
0x1ce: {  	v60 =	vadd.f32 v60, v3;
	v45 =	vtrunc.f32 v45;
	v4 =	vmov v5  }
0x1cf: {  	v51 =	vcvt.f32.s32 v51;
	v52 =	vadd.f32 $5.440000000e+02, v53;
	v5 =	vmovc v12;
	v12 =	vmovc v22;
	[tilespmem:v63+s15+$0x0] =	vst.idx.add.f32.msk $0xffff, v62;
	v53 =	vcvt.f32.s32 v45  }
0x1d0: {  	v22 =	vmovc v57;
	v45 =	vbroadcast v47, $0x6;
	v60 =	vadd.f32 $5.440000000e+02, v60;
	v55 =	vadd.f32 v55, v3;
	[tilespmem:v61+s15+$0x0] =	vst.idx.add.f32.msk $0xffff, v24  }
0x1d1: {  	v57 =	vadd.s32 v1, v51;
	v52 =	vtrunc.f32 v52;
	v51 =	vld [tilespmem:s29+$0x50];
	v53 =	vadd.s32 v1, v53;
	v24 =	vmovc v30;
	v30 =	vmovc v39  }
0x1d2: {  	v39 =	vadd.f32 v54, v3;
	v54 =	vtrunc.f32 v60;
	v55 =	vadd.f32 $5.440000000e+02, v55;
	v60 =	vld [tilespmem:s26+$0xFFFFFFA0]  }
0x1d3: {  	v52 =	vcvt.f32.s32 v52;
	v54 =	vcvt.f32.s32 v54;
	[tilespmem:v44+s15+$0x0] =	vst.idx.add.f32.msk $0xffff, v10;
	v10 =	vmovc v13;
	v13 =	vmovc v17;
	v17 =	vmov v25  }
0x1d4: {  	v39 =	vadd.f32 $5.440000000e+02, v39;
	v44 =	vbroadcast v5, $0x8;
	v55 =	vtrunc.f32 v55;
	v25 =	vmovc v34;
	v61 =	vld [tilespmem:s24+$0xFFFFFFE0]  }
0x1d5: {  	v62 =	vbroadcast v47, $0x7;
	v34 =	vadd.s32 v1, v54;
	v54 =	vcvt.f32.s32 v55;
	[tilespmem:v46+s15+$0x0] =	vst.idx.add.f32.msk $0xffff, v6;
	v6 =	vmovc v7  }
0x1d6: {  	v52 =	vadd.s32 v1, v52;
	v39 =	vtrunc.f32 v39;
	v46 =	vadd.f32 v51, v3;
	[tilespmem:v53+s15+$0x0] =	vst.idx.add.f32.msk $0xffff, v44  }
0x1d7: {  	v51 =	vbroadcast v47, $0x8;
	v7 =	vmovc v8;
	v8 =	vmovc v15;
	v44 =	vcvt.f32.s32 v39;
	v54 =	vadd.s32 v1, v54;
	v53 =	vld [tilespmem:s28+$0x90]  }
0x1d8: {  	v55 =	vbroadcast v22, $0x1;
	v15 =	vmovc v18;
	v39 =	vbroadcast v47, $0x9;
	v46 =	vadd.f32 $5.440000000e+02, v46;
	[tilespmem:v57+s15+$0x0] =	vst.idx.add.f32.msk $0xffff, v42;
	v42 =	vmovc v56  }
0x1d9: {  	v18 =	vmovc v32;
	v60 =	vadd.f32 v60, v3;
	v44 =	vadd.s32 v1, v44;
	v56 =	vbroadcast v47, $0xA;
	v57 =	vld [tilespmem:s29+$0xFFFFFF50]  }
0x1da: {  	v32 =	vtrunc.f32 v46;
	[tilespmem:v34+s15+$0x0] =	vst.idx.add.f32.msk $0xffff, v55;
	v34 =	vbroadcast v4, $0xC;
	v55 =	vadd.f32 v61, v3  }
0x1db: {  	v46 =	vbroadcast v47, $0xB;
	v60 =	vadd.f32 $5.440000000e+02, v60;
	v32 =	vcvt.f32.s32 v32;
	v61 =	vld [tilespmem:s1+$0x20]  }
0x1dc: {  	v63 =	vbroadcast v47, $0xC;
	v53 =	vadd.f32 v53, v3;
	[tilespmem:v54+s15+$0x0] =	vst.idx.add.f32.msk $0xffff, v34;
	v34 =	vtrunc.f32 v58  }
0x1dd: {  	v32 =	vadd.s32 v1, v32;
	v54 =	vtrunc.f32 v60;
	v58 =	vld [tilespmem:s26+$0xD0];
	v60 =	vcvt.f32.s32 v34  }
0x1de: {  	v54 =	vcvt.f32.s32 v54;
	[tilespmem:v44+s15+$0x0] =	vst.idx.add.f32.msk $0xffff, v59;
	v44 =	vadd.f32 v57, v3;
	v53 =	vadd.f32 $5.440000000e+02, v53  }
0x1df: {  	v55 =	vadd.f32 $5.440000000e+02, v55;
	v34 =	vbroadcast v47, $0xD;
	v57 =	vld [tilespmem:s1+$0xFFFFFF20];
	v59 =	vadd.s32 v1, v60  }
0x1e0: {  	v60 =	vadd.f32 v61, v3;
	v61 =	vbroadcast v12, $0x5;
	[tilespmem:v52+s15+$0x0] =	vst.idx.add.f32.msk $0xffff, v33;
	v52 =	vtrunc.f32 v53;
	v33 =	vmovc v40  }
0x1e1: {  	v54 =	vadd.s32 v1, v54;
	v44 =	vadd.f32 $5.440000000e+02, v44;
	v40 =	vmovc v62;
	v53 =	vld [tilespmem:s28+$0xFFFFFF80];
	v52 =	vcvt.f32.s32 v52  }
0x1e2: {  	v55 =	vtrunc.f32 v55;
	v60 =	vadd.f32 $5.440000000e+02, v60;
	[tilespmem:v32+s15+$0x0] =	vst.idx.add.f32.msk $0xffff, v61;
	v32 =	vadd.f32 v58, v3  }
0x1e3: {  	v55 =	vcvt.f32.s32 v55;
	v44 =	vtrunc.f32 v44;
	v58 =	vld [tilespmem:s29+$0x60];
	v52 =	vadd.s32 v1, v52  }
0x1e4: {  	v57 =	vadd.f32 v57, v3;
	v60 =	vtrunc.f32 v60;
	v32 =	vadd.f32 $5.440000000e+02, v32;
	[tilespmem:v59+s15+$0x0] =	vst.idx.add.f32.msk $0xffff, v14;
	v14 =	vmovc v19  }
0x1e5: {  	v55 =	vadd.s32 v1, v55;
	v44 =	vcvt.f32.s32 v44;
	v19 =	vmovc v26;
	v26 =	vmovc v35;
	v59 =	vcvt.f32.s32 v60;
	v60 =	vld [tilespmem:s25+$0xFFFFFFD0]  }
0x1e6: {  	v61 =	vbroadcast v5, $0x9;
	v57 =	vadd.f32 $5.440000000e+02, v57;
	[tilespmem:v54+s15+$0x0] =	vst.idx.add.f32.msk $0xffff, v23;
	v32 =	vtrunc.f32 v32;
	v23 =	vmovc v29;
	v29 =	vmovc v37  }
0x1e7: {  	v35 =	vmovc v63;
	v44 =	vadd.s32 v1, v44;
	v37 =	vmovc v56;
	v54 =	vadd.s32 v1, v59;
	v59 =	vld [tilespmem:s26+$0xFFFFFFB0];
	v32 =	vcvt.f32.s32 v32  }
0x1e8: {  	v53 =	vadd.f32 v53, v3;
	v56 =	vtrunc.f32 v57;
	v57 =	vadd.f32 v58, v3;
	[tilespmem:v52+s15+$0x0] =	vst.idx.add.f32.msk $0xffff, v61  }
0x1e9: {  	v52 =	vcvt.f32.s32 v56;
	v56 =	vbroadcast v47, $0xE;
	v58 =	vld [tilespmem:s28+$0xA0];
	v61 =	vadd.s32 v1, v32  }
0x1ea: {  	v62 =	vbroadcast v22, $0x2;
	v53 =	vadd.f32 $5.440000000e+02, v53;
	v57 =	vadd.f32 $5.440000000e+02, v57;
	[tilespmem:v55+s15+$0x0] =	vst.idx.add.f32.msk $0xffff, v9;
	v9 =	vmovc v11;
	v11 =	vmovc v16  }
0x1eb: {  	v32 =	vbroadcast v47, $0xF;
	v47 =	vadd.f32 v60, v3;
	v16 =	vmovc v20;
	v20 =	vmovc v28;
	v52 =	vadd.s32 v1, v52;
	v55 =	vld [tilespmem:s24+$0xFFFFFFF0];
	s24 =	smov.u32 s25;
	s25 =	smov.u32 s26;
	s26 =	smov.u32 s28  }
0x1ec: {  	v28 =	vmovc v56;
	s28 =	smov.u32 s29;
	s29 =	smov.u32 s1;
	[tilespmem:v54+s15+$0x0] =	vst.idx.add.f32.msk $0xffff, v62;
	v54 =	vtrunc.f32 v57;
	v57 =	vadd.f32 v59, v3;
	v59 =	vbroadcast v4, $0xD  }
0x1ed: {  	v53 =	vtrunc.f32 v53;
	v47 =	vadd.f32 $5.440000000e+02, v47;
	v56 =	vld [tilespmem:s1+$0x30];
	v54 =	vcvt.f32.s32 v54  }
0x1ee: {  	v53 =	vcvt.f32.s32 v53;
	v58 =	vadd.f32 v58, v3;
	v57 =	vadd.f32 $5.440000000e+02, v57;
	[tilespmem:v61+s15+$0x0] =	vst.idx.add.f32.msk $0xffff, v59  }
0x1ef: {  	v47 =	vtrunc.f32 v47;
	v59 =	vadd.s32 v1, v54;
	v60 =	vld [tilespmem:s25+$0xE0]  }
0x1f0: {  	[tilespmem:v52+s15+$0x0] =	vst.idx.add.f32.msk $0xffff, v50;
	v52 =	vadd.s32 v1, v53;
	v50 =	vadd.f32 $5.440000000e+02, v58;
	v53 =	vtrunc.f32 v57  }
0x1f1: {  	v47 =	vcvt.f32.s32 v47;
	v55 =	vadd.f32 v55, v3;
	v57 =	vld [tilespmem:s1+$0xFFFFFF30];
	v53 =	vcvt.f32.s32 v53  }
0x1f2: {  	v58 =	vbroadcast v12, $0x6;
	v56 =	vadd.f32 v56, v3;
	[tilespmem:v44+s15+$0x0] =	vst.idx.add.f32.msk $0xffff, v43;
	v44 =	vtrunc.f32 v50;
	v43 =	vmovc v49  }
0x1f3: {  	v54 =	vld [tilespmem:s28+$0xFFFFFF60];
	v49 =	vcvt.f32.s32 v44;
	v61 =	vadd.s32 v1, v53;
	v44 =	vadd.s32 v1, v47  }
.Ltmp6:
0x1f4: {  	v47 =	vadd.f32 $5.440000000e+02, v56;
	[tilespmem:v59+s15+$0x0] =	vst.idx.add.f32.msk $0xffff, v58;
	v56 =	vadd.f32 v60, v3;
	(pc) =	sbr.rel @p1 .LBB2_11-.Ltmp6, $4  }
0x1f5: {  	v53 =	vld [tilespmem:s28+$0x70];
	v50 =	vadd.s32 v1, v49;
	v49 =	vadd.f32 $5.440000000e+02, v55  }
0x1f6: {  	v57 =	vadd.f32 v57, v3;
	v47 =	vtrunc.f32 v47;
	[tilespmem:v52+s15+$0x0] =	vst.idx.add.f32.msk $0xffff, v31;
	v58 =	vadd.f32 $5.440000000e+02, v56;
	v31 =	vmovc v38  }
0x1f7: {  	v38 =	vmov v51;
	v55 =	vcvt.f32.s32 v47;
	v52 =	vld [tilespmem:s26+$0xFFFFFF90];
	v47 =	vtrunc.f32 v49  }
0x1f8: {  	s1 =	sadd.s32 $0x200, s1;
	v51 =	vbroadcast v5, $0xA;
	v56 =	vadd.f32 $5.440000000e+02, v57;
	[tilespmem:v61+s15+$0x0] =	vst.idx.add.f32.msk $0xffff, v21;
	v49 =	vtrunc.f32 v58;
	v21 =	vmovc v27;
	v27 =	vmovc v41  }
0x1f9: {  	v41 =	vadd.s32 v1, v55;
	_ =	sdelay $0x1  }
0x1fa: {  	v62 =	vtrunc.f32 v56  }
0x1fb: {  	v63 =	vbroadcast v22, $0x3;
	v55 =	vcvt.f32.s32 v62;
	_ =	sdelay $0x1  }
0x1fc: {  	v55 =	vadd.s32 v1, v55;
	[tilespmem:v41+s15+$0x0] =	vst.idx.add.f32.msk $0xffff, v63  }
0x1fd: {  	v41 =	vld [tilespmem:s29+$0x40];
	_ =	sdelay $0x3  }
0x1fe: {  	[tilespmem:v55+s15+$0x0] =	vst.idx.add.f32.msk $0xffff, v48  }
0x1ff: {  	v48 =	vld [tilespmem:s29+$0xFFFFFF40];
	v41 =	vadd.f32 v41, v3;
	_ =	sdelay $0x1  }
0x200: {  	v41 =	vadd.f32 $5.440000000e+02, v41;
	_ =	sdelay $0x1  }
0x201: {  	v41 =	vtrunc.f32 v41  }
0x202: {  	v48 =	vadd.f32 v48, v3;
	v41 =	vcvt.f32.s32 v41;
	_ =	sdelay $0x1  }
0x203: {  	v48 =	vadd.f32 $5.440000000e+02, v48;
	v41 =	vadd.s32 v1, v41;
	_ =	sdelay $0x1  }
0x204: {  	v48 =	vtrunc.f32 v48  }
0x205: {  	v59 =	vbroadcast v22, $0x4;
	v48 =	vcvt.f32.s32 v48;
	_ =	sdelay $0x1  }
0x206: {  	v48 =	vadd.s32 v1, v48;
	[tilespmem:v41+s15+$0x0] =	vst.idx.add.f32.msk $0xffff, v59  }
0x207: {  	v41 =	vld [tilespmem:s29+$0x50];
	_ =	sdelay $0x3  }
0x208: {  	[tilespmem:v48+s15+$0x0] =	vst.idx.add.f32.msk $0xffff, v42  }
0x209: {  	v42 =	vld [tilespmem:s29+$0xFFFFFF50];
	v41 =	vadd.f32 v41, v3;
	_ =	sdelay $0x1  }
0x20a: {  	v41 =	vadd.f32 $5.440000000e+02, v41;
	_ =	sdelay $0x1  }
0x20b: {  	v41 =	vtrunc.f32 v41  }
0x20c: {  	v42 =	vadd.f32 v42, v3;
	v41 =	vcvt.f32.s32 v41;
	_ =	sdelay $0x1  }
0x20d: {  	v42 =	vadd.f32 $5.440000000e+02, v42;
	v41 =	vadd.s32 v1, v41;
	_ =	sdelay $0x1  }
0x20e: {  	v42 =	vtrunc.f32 v42  }
0x20f: {  	v60 =	vbroadcast v22, $0x5;
	v42 =	vcvt.f32.s32 v42;
	_ =	sdelay $0x1  }
0x210: {  	v42 =	vadd.s32 v1, v42;
	[tilespmem:v41+s15+$0x0] =	vst.idx.add.f32.msk $0xffff, v60  }
0x211: {  	v41 =	vld [tilespmem:s29+$0x60];
	_ =	sdelay $0x1  }
0x212: {  	v61 =	vadd.f32 v54, v3;
	_ =	sdelay $0x1  }
0x213: {  	[tilespmem:v42+s15+$0x0] =	vst.idx.add.f32.msk $0xffff, v43;
	v43 =	vadd.f32 $5.440000000e+02, v61  }
0x214: {  	v42 =	vld [tilespmem:s29+$0xFFFFFF60];
	v41 =	vadd.f32 v41, v3  }
0x215: {  	v43 =	vtrunc.f32 v43  }
0x216: {  	v43 =	vcvt.f32.s32 v43;
	v41 =	vadd.f32 $5.440000000e+02, v41;
	_ =	sdelay $0x1  }
0x217: {  	v43 =	vadd.s32 v1, v43;
	v41 =	vtrunc.f32 v41  }
0x218: {  	v42 =	vadd.f32 v42, v3;
	v41 =	vcvt.f32.s32 v41;
	_ =	sdelay $0x1  }
0x219: {  	v42 =	vadd.f32 $5.440000000e+02, v42;
	v41 =	vadd.s32 v1, v41;
	_ =	sdelay $0x1  }
0x21a: {  	v42 =	vtrunc.f32 v42;
	[tilespmem:v43+s15+$0x0] =	vst.idx.add.f32.msk $0xffff, v36  }
0x21b: {  	v62 =	vbroadcast v22, $0x6;
	v42 =	vcvt.f32.s32 v42;
	v36 =	vld [tilespmem:s28+$0xFFFFFF70];
	_ =	sdelay $0x1  }
0x21c: {  	v42 =	vadd.s32 v1, v42;
	[tilespmem:v41+s15+$0x0] =	vst.idx.add.f32.msk $0xffff, v62  }
0x21d: {  	v63 =	vadd.f32 v53, v3;
	v41 =	vld [tilespmem:s29+$0x70];
	_ =	sdelay $0x1  }
0x21e: {  	v48 =	vadd.f32 $5.440000000e+02, v63;
	v36 =	vadd.f32 v36, v3;
	_ =	sdelay $0x1  }
0x21f: {  	v43 =	vtrunc.f32 v48;
	[tilespmem:v42+s15+$0x0] =	vst.idx.add.f32.msk $0xffff, v45;
	v36 =	vadd.f32 $5.440000000e+02, v36  }
0x220: {  	v43 =	vcvt.f32.s32 v43;
	v42 =	vld [tilespmem:s29+$0xFFFFFF70];
	v41 =	vadd.f32 v41, v3  }
0x221: {  	v36 =	vtrunc.f32 v36  }
0x222: {  	v43 =	vadd.s32 v1, v43;
	v36 =	vcvt.f32.s32 v36;
	v41 =	vadd.f32 $5.440000000e+02, v41;
	_ =	sdelay $0x1  }
0x223: {  	v36 =	vadd.s32 v1, v36;
	v41 =	vtrunc.f32 v41  }
0x224: {  	v53 =	vbroadcast v12, $0x7;
	v42 =	vadd.f32 v42, v3;
	v41 =	vcvt.f32.s32 v41;
	_ =	sdelay $0x1  }
0x225: {  	[tilespmem:v43+s15+$0x0] =	vst.idx.add.f32.msk $0xffff, v53;
	v42 =	vadd.f32 $5.440000000e+02, v42;
	v41 =	vadd.s32 v1, v41  }
0x226: {  	v43 =	vld [tilespmem:s28+$0x80]  }
0x227: {  	v42 =	vtrunc.f32 v42;
	[tilespmem:v36+s15+$0x0] =	vst.idx.add.f32.msk $0xffff, v33  }
0x228: {  	v54 =	vbroadcast v22, $0x7;
	v42 =	vcvt.f32.s32 v42;
	v33 =	vld [tilespmem:s28+$0xFFFFFF80];
	_ =	sdelay $0x1  }
0x229: {  	v42 =	vadd.s32 v1, v42;
	[tilespmem:v41+s15+$0x0] =	vst.idx.add.f32.msk $0xffff, v54  }
0x22a: {  	v43 =	vadd.f32 v43, v3;
	v41 =	vld [tilespmem:s29+$0x80];
	_ =	sdelay $0x1  }
0x22b: {  	v55 =	vadd.f32 $5.440000000e+02, v43;
	v33 =	vadd.f32 v33, v3;
	_ =	sdelay $0x1  }
0x22c: {  	v36 =	vtrunc.f32 v55;
	[tilespmem:v42+s15+$0x0] =	vst.idx.add.f32.msk $0xffff, v40;
	v33 =	vadd.f32 $5.440000000e+02, v33  }
0x22d: {  	v36 =	vcvt.f32.s32 v36;
	v40 =	vld [tilespmem:s29+$0xFFFFFF80];
	v41 =	vadd.f32 v41, v3  }
0x22e: {  	v33 =	vtrunc.f32 v33  }
0x22f: {  	v36 =	vadd.s32 v1, v36;
	v33 =	vcvt.f32.s32 v33;
	v41 =	vadd.f32 $5.440000000e+02, v41;
	_ =	sdelay $0x1  }
0x230: {  	v33 =	vadd.s32 v1, v33;
	v41 =	vtrunc.f32 v41  }
0x231: {  	v56 =	vbroadcast v12, $0x8;
	v40 =	vadd.f32 v40, v3;
	v41 =	vcvt.f32.s32 v41;
	_ =	sdelay $0x1  }
0x232: {  	v60 =	vadd.f32 v52, v3;
	[tilespmem:v36+s15+$0x0] =	vst.idx.add.f32.msk $0xffff, v56;
	v40 =	vadd.f32 $5.440000000e+02, v40;
	v41 =	vadd.s32 v1, v41  }
0x233: {  	v58 =	vld [tilespmem:s28+$0x90]  }
0x234: {  	v57 =	vtrunc.f32 v40;
	[tilespmem:v33+s15+$0x0] =	vst.idx.add.f32.msk $0xffff, v31;
	v33 =	vadd.f32 $5.440000000e+02, v60  }
0x235: {  	v59 =	vbroadcast v22, $0x8;
	v36 =	vcvt.f32.s32 v57;
	v31 =	vld [tilespmem:s28+$0xFFFFFF90]  }
0x236: {  	v33 =	vtrunc.f32 v33  }
0x237: {  	v36 =	vadd.s32 v1, v36;
	v33 =	vcvt.f32.s32 v33;
	[tilespmem:v41+s15+$0x0] =	vst.idx.add.f32.msk $0xffff, v59  }
0x238: {  	v40 =	vadd.f32 v58, v3;
	v41 =	vld [tilespmem:s29+$0x90]  }
0x239: {  	v33 =	vadd.s32 v1, v33  }
0x23a: {  	v40 =	vadd.f32 $5.440000000e+02, v40;
	v31 =	vadd.f32 v31, v3;
	_ =	sdelay $0x1  }
0x23b: {  	v61 =	vtrunc.f32 v40;
	[tilespmem:v36+s15+$0x0] =	vst.idx.add.f32.msk $0xffff, v38;
	v31 =	vadd.f32 $5.440000000e+02, v31  }
0x23c: {  	v38 =	vcvt.f32.s32 v61;
	v36 =	vld [tilespmem:s29+$0xFFFFFF90];
	v62 =	vadd.f32 v41, v3  }
0x23d: {  	v31 =	vtrunc.f32 v31;
	[tilespmem:v33+s15+$0x0] =	vst.idx.add.f32.msk $0xffff, v24  }
0x23e: {  	v38 =	vadd.s32 v1, v38;
	v31 =	vcvt.f32.s32 v31;
	v33 =	vld [tilespmem:s26+$0xFFFFFFA0];
	v40 =	vadd.f32 $5.440000000e+02, v62;
	_ =	sdelay $0x1  }
0x23f: {  	v31 =	vadd.s32 v1, v31;
	v40 =	vtrunc.f32 v40  }
0x240: {  	v63 =	vbroadcast v12, $0x9;
	v36 =	vadd.f32 v36, v3;
	v40 =	vcvt.f32.s32 v40;
	_ =	sdelay $0x1  }
0x241: {  	[tilespmem:v38+s15+$0x0] =	vst.idx.add.f32.msk $0xffff, v63;
	v36 =	vadd.f32 $5.440000000e+02, v36;
	v45 =	vadd.f32 v33, v3;
	v40 =	vadd.s32 v1, v40  }
0x242: {  	v38 =	vld [tilespmem:s28+$0xA0]  }
0x243: {  	v36 =	vtrunc.f32 v36;
	[tilespmem:v31+s15+$0x0] =	vst.idx.add.f32.msk $0xffff, v30;
	v31 =	vadd.f32 $5.440000000e+02, v45  }
0x244: {  	v43 =	vbroadcast v22, $0x9;
	v36 =	vcvt.f32.s32 v36;
	v30 =	vld [tilespmem:s28+$0xFFFFFFA0]  }
0x245: {  	v31 =	vtrunc.f32 v31  }
0x246: {  	v36 =	vadd.s32 v1, v36;
	v31 =	vcvt.f32.s32 v31;
	[tilespmem:v40+s15+$0x0] =	vst.idx.add.f32.msk $0xffff, v43  }
0x247: {  	v38 =	vadd.f32 v38, v3;
	v24 =	vld [tilespmem:s29+$0xA0]  }
0x248: {  	v31 =	vadd.s32 v1, v31  }
0x249: {  	v48 =	vadd.f32 $5.440000000e+02, v38;
	v30 =	vadd.f32 v30, v3  }
0x24a: {  	[tilespmem:v50+s15+$0x0] =	vst.idx.add.f32.msk $0xffff, v51  }
0x24b: {  	v33 =	vtrunc.f32 v48;
	[tilespmem:v36+s15+$0x0] =	vst.idx.add.f32.msk $0xffff, v39;
	v30 =	vadd.f32 $5.440000000e+02, v30  }
0x24c: {  	v33 =	vcvt.f32.s32 v33;
	v36 =	vld [tilespmem:s29+$0xFFFFFFA0];
	v24 =	vadd.f32 v24, v3  }
0x24d: {  	v30 =	vtrunc.f32 v30;
	[tilespmem:v31+s15+$0x0] =	vst.idx.add.f32.msk $0xffff, v23  }
0x24e: {  	v33 =	vadd.s32 v1, v33;
	v30 =	vcvt.f32.s32 v30;
	v31 =	vld [tilespmem:s26+$0xFFFFFFB0];
	v24 =	vadd.f32 $5.440000000e+02, v24  }
0x24f: {  	v51 =	vld [tilespmem:s26+$0xB0]  }
0x250: {  	v30 =	vadd.s32 v1, v30;
	v24 =	vtrunc.f32 v24  }
0x251: {  	v52 =	vbroadcast v12, $0xA;
	v36 =	vadd.f32 v36, v3;
	v24 =	vcvt.f32.s32 v24;
	_ =	sdelay $0x1  }
0x252: {  	[tilespmem:v33+s15+$0x0] =	vst.idx.add.f32.msk $0xffff, v52;
	v36 =	vadd.f32 $5.440000000e+02, v36;
	v57 =	vadd.f32 v31, v3;
	v24 =	vadd.s32 v1, v24  }
0x253: {  	v38 =	vadd.f32 v51, v3;
	v54 =	vld [tilespmem:s28+$0xB0]  }
0x254: {  	v53 =	vtrunc.f32 v36;
	[tilespmem:v30+s15+$0x0] =	vst.idx.add.f32.msk $0xffff, v29;
	v30 =	vadd.f32 $5.440000000e+02, v57  }
0x255: {  	v55 =	vbroadcast v22, $0xA;
	v38 =	vadd.f32 $5.440000000e+02, v38;
	v33 =	vcvt.f32.s32 v53  }
0x256: {  	v29 =	vld [tilespmem:s28+$0xFFFFFFB0];
	v30 =	vtrunc.f32 v30  }
0x257: {  	v56 =	vtrunc.f32 v38;
	v33 =	vadd.s32 v1, v33;
	v30 =	vcvt.f32.s32 v30;
	[tilespmem:v24+s15+$0x0] =	vst.idx.add.f32.msk $0xffff, v55  }
0x258: {  	v24 =	vcvt.f32.s32 v56;
	v23 =	vld [tilespmem:s29+$0xB0]  }
0x259: {  	v36 =	vadd.f32 v54, v3;
	v30 =	vadd.s32 v1, v30  }
0x25a: {  	v24 =	vadd.s32 v1, v24  }
0x25b: {  	v58 =	vadd.f32 $5.440000000e+02, v36;
	v29 =	vadd.f32 v29, v3  }
0x25c: {  	v59 =	vbroadcast v5, $0xB;
	[tilespmem:v33+s15+$0x0] =	vst.idx.add.f32.msk $0xffff, v37  }
0x25d: {  	v31 =	vtrunc.f32 v58;
	v60 =	vadd.f32 $5.440000000e+02, v29;
	v33 =	vld [tilespmem:s29+$0xFFFFFFB0];
	v23 =	vadd.f32 v23, v3  }
0x25e: {  	v31 =	vcvt.f32.s32 v31;
	[tilespmem:v30+s15+$0x0] =	vst.idx.add.f32.msk $0xffff, v21  }
0x25f: {  	[tilespmem:v24+s15+$0x0] =	vst.idx.add.f32.msk $0xffff, v59;
	v24 =	vtrunc.f32 v60;
	v23 =	vadd.f32 $5.440000000e+02, v23  }
0x260: {  	v31 =	vadd.s32 v1, v31;
	v30 =	vld [tilespmem:s26+$0xFFFFFFC0];
	v24 =	vcvt.f32.s32 v24  }
0x261: {  	v62 =	vld [tilespmem:s26+$0xC0];
	v23 =	vtrunc.f32 v23  }
0x262: {  	v40 =	vld [tilespmem:s25+$0xFFFFFFC0];
	v61 =	vadd.f32 v33, v3;
	v24 =	vadd.s32 v1, v24;
	v23 =	vcvt.f32.s32 v23  }
0x263: {  	v63 =	vbroadcast v12, $0xB  }
0x264: {  	v29 =	vadd.f32 $5.440000000e+02, v61;
	v23 =	vadd.s32 v1, v23  }
0x265: {  	[tilespmem:v31+s15+$0x0] =	vst.idx.add.f32.msk $0xffff, v63;
	v30 =	vadd.f32 v30, v3  }
0x266: {  	v41 =	vbroadcast v22, $0xB;
	v31 =	vld [tilespmem:s28+$0xC0];
	v33 =	vadd.f32 v62, v3;
	v29 =	vtrunc.f32 v29  }
0x267: {  	v42 =	vadd.f32 v40, v3;
	v30 =	vadd.f32 $5.440000000e+02, v30;
	v29 =	vcvt.f32.s32 v29;
	[tilespmem:v24+s15+$0x0] =	vst.idx.add.f32.msk $0xffff, v27  }
0x268: {  	v33 =	vadd.f32 $5.440000000e+02, v33;
	v27 =	vld [tilespmem:s28+$0xFFFFFFC0]  }
0x269: {  	v43 =	vadd.f32 $5.440000000e+02, v42;
	v30 =	vtrunc.f32 v30;
	v29 =	vadd.s32 v1, v29;
	[tilespmem:v23+s15+$0x0] =	vst.idx.add.f32.msk $0xffff, v41  }
0x26a: {  	v33 =	vtrunc.f32 v33;
	v30 =	vcvt.f32.s32 v30;
	v21 =	vld [tilespmem:s29+$0xC0]  }
0x26b: {  	v31 =	vadd.f32 v31, v3;
	v45 =	vcvt.f32.s32 v33;
	v23 =	vtrunc.f32 v43  }
0x26c: {  	v23 =	vcvt.f32.s32 v23;
	v30 =	vadd.s32 v1, v30  }
0x26d: {  	v31 =	vadd.f32 $5.440000000e+02, v31;
	v24 =	vadd.s32 v1, v45  }
0x26e: {  	v23 =	vadd.s32 v1, v23;
	v27 =	vadd.f32 v27, v3;
	[tilespmem:v29+s15+$0x0] =	vst.idx.add.f32.msk $0xffff, v46  }
0x26f: {  	v31 =	vtrunc.f32 v31;
	v29 =	vld [tilespmem:s29+$0xFFFFFFC0];
	v21 =	vadd.f32 v21, v3  }
0x270: {  	v48 =	vbroadcast v5, $0xC;
	v31 =	vcvt.f32.s32 v31;
	v50 =	vadd.f32 $5.440000000e+02, v27  }
0x271: {  	[tilespmem:v30+s15+$0x0] =	vst.idx.add.f32.msk $0xffff, v19;
	v21 =	vadd.f32 $5.440000000e+02, v21  }
0x272: {  	v31 =	vadd.s32 v1, v31;
	[tilespmem:v24+s15+$0x0] =	vst.idx.add.f32.msk $0xffff, v48;
	v54 =	vtrunc.f32 v50  }
0x273: {  	[tilespmem:v23+s15+$0x0] =	vst.idx.add.f32.msk $0xffff, v14;
	v23 =	vcvt.f32.s32 v54;
	v21 =	vtrunc.f32 v21  }
0x274: {  	v52 =	vld [tilespmem:s26+$0xD0];
	v51 =	vadd.f32 v29, v3;
	v21 =	vcvt.f32.s32 v21  }
0x275: {  	v53 =	vbroadcast v12, $0xC;
	v30 =	vld [tilespmem:s26+$0xFFFFFFD0];
	v23 =	vadd.s32 v1, v23  }
0x276: {  	v56 =	vld [tilespmem:s25+$0xFFFFFFD0];
	v55 =	vadd.f32 $5.440000000e+02, v51;
	v21 =	vadd.s32 v1, v21  }
0x277: {  	[tilespmem:v31+s15+$0x0] =	vst.idx.add.f32.msk $0xffff, v53  }
0x278: {  	v58 =	vld [tilespmem:s28+$0xD0];
	v57 =	vtrunc.f32 v55  }
0x279: {  	v59 =	vbroadcast v22, $0xC;
	v29 =	vadd.f32 v52, v3;
	v14 =	vcvt.f32.s32 v57  }
0x27a: {  	[tilespmem:v23+s15+$0x0] =	vst.idx.add.f32.msk $0xffff, v26  }
0x27b: {  	v27 =	vadd.f32 v56, v3;
	v29 =	vadd.f32 $5.440000000e+02, v29;
	v14 =	vadd.s32 v1, v14;
	[tilespmem:v21+s15+$0x0] =	vst.idx.add.f32.msk $0xffff, v59  }
0x27c: {  	v62 =	vadd.f32 v30, v3;
	v19 =	vld [tilespmem:s29+$0xD0]  }
0x27d: {  	v27 =	vadd.f32 $5.440000000e+02, v27;
	v23 =	vld [tilespmem:s28+$0xFFFFFFD0];
	v60 =	vtrunc.f32 v29;
	v24 =	vadd.f32 v58, v3  }
0x27e: {  	v21 =	vcvt.f32.s32 v60  }
0x27f: {  	v61 =	vtrunc.f32 v27;
	v27 =	vadd.f32 $5.440000000e+02, v62;
	v24 =	vadd.f32 $5.440000000e+02, v24  }
0x280: {  	v33 =	vcvt.f32.s32 v61;
	v63 =	vadd.s32 v1, v21;
	[tilespmem:v14+s15+$0x0] =	vst.idx.add.f32.msk $0xffff, v35  }
0x281: {  	v37 =	vtrunc.f32 v27;
	v24 =	vtrunc.f32 v24;
	v35 =	vld [tilespmem:s29+$0xFFFFFFD0];
	v19 =	vadd.f32 v19, v3  }
0x282: {  	[tilespmem:v44+s15+$0x0] =	vst.idx.add.f32.msk $0xffff, v10;
	v21 =	vadd.s32 v1, v33;
	v23 =	vadd.f32 v23, v3;
	v10 =	vcvt.f32.s32 v37  }
0x283: {  	v36 =	vbroadcast v5, $0xD;
	v24 =	vcvt.f32.s32 v24;
	v19 =	vadd.f32 $5.440000000e+02, v19  }
0x284: {  	v38 =	vld [tilespmem:s24+$0xFFFFFFE0];
	v40 =	vadd.f32 $5.440000000e+02, v23;
	v10 =	vadd.s32 v1, v10  }
0x285: {  	v24 =	vadd.s32 v1, v24;
	[tilespmem:v63+s15+$0x0] =	vst.idx.add.f32.msk $0xffff, v36;
	v39 =	vtrunc.f32 v19  }
0x286: {  	v42 =	vld [tilespmem:s26+$0xE0];
	v41 =	vadd.f32 v35, v3;
	v19 =	vtrunc.f32 v40;
	v14 =	vcvt.f32.s32 v39  }
0x287: {  	[tilespmem:v21+s15+$0x0] =	vst.idx.add.f32.msk $0xffff, v13;
	v19 =	vcvt.f32.s32 v19  }
0x288: {  	v43 =	vbroadcast v12, $0xD;
	v45 =	vld [tilespmem:s25+$0xFFFFFFE0];
	v44 =	vadd.f32 $5.440000000e+02, v41;
	v14 =	vadd.s32 v1, v14  }
0x289: {  	[tilespmem:v10+s15+$0x0] =	vst.idx.add.f32.msk $0xffff, v17;
	v19 =	vadd.s32 v1, v19  }
0x28a: {  	v27 =	vadd.f32 v38, v3;
	[tilespmem:v24+s15+$0x0] =	vst.idx.add.f32.msk $0xffff, v43;
	v46 =	vtrunc.f32 v44  }
0x28b: {  	v51 =	vbroadcast v22, $0xD;
	v48 =	vld [tilespmem:s28+$0xE0];
	v13 =	vcvt.f32.s32 v46  }
0x28c: {  	v50 =	vadd.f32 $5.440000000e+02, v27;
	v53 =	vld [tilespmem:s26+$0xFFFFFFE0];
	v26 =	vadd.f32 v42, v3  }
0x28d: {  	v52 =	vcvt.f32.s32 v49;
	v13 =	vadd.s32 v1, v13;
	[tilespmem:v14+s15+$0x0] =	vst.idx.add.f32.msk $0xffff, v51  }
0x28e: {  	v24 =	vtrunc.f32 v50;
	v23 =	vadd.f32 v45, v3;
	v26 =	vadd.f32 $5.440000000e+02, v26;
	[tilespmem:v19+s15+$0x0] =	vst.idx.add.f32.msk $0xffff, v25  }
0x28f: {  	v54 =	vadd.s32 v1, v52;
	v55 =	vcvt.f32.s32 v24;
	v56 =	vld [tilespmem:s29+$0xE0]  }
0x290: {  	v23 =	vadd.f32 $5.440000000e+02, v23;
	v57 =	vtrunc.f32 v26;
	v21 =	vadd.f32 v48, v3;
	v25 =	vld [tilespmem:s28+$0xFFFFFFE0]  }
0x291: {  	v58 =	vbroadcast v4, $0xE;
	v14 =	vadd.s32 v1, v55;
	v24 =	vcvt.f32.s32 v57  }
0x292: {  	v59 =	vadd.f32 v53, v3;
	v23 =	vtrunc.f32 v23;
	v21 =	vadd.f32 $5.440000000e+02, v21;
	[tilespmem:v13+s15+$0x0] =	vst.idx.add.f32.msk $0xffff, v34  }
0x293: {  	v23 =	vcvt.f32.s32 v23;
	v60 =	vadd.s32 v1, v24;
	v61 =	vld [tilespmem:s29+$0xFFFFFFE0]  }
0x294: {  	[tilespmem:v54+s15+$0x0] =	vst.idx.add.f32.msk $0xffff, v58;
	v63 =	vadd.f32 $5.440000000e+02, v59;
	v62 =	vtrunc.f32 v21;
	v17 =	vadd.f32 v56, v3  }
0x295: {  	v29 =	vld [tilespmem:s25+$0xF0];
	v23 =	vadd.s32 v1, v23;
	v10 =	vcvt.f32.s32 v62;
	v34 =	vadd.f32 v25, v3  }
0x296: {  	v30 =	vbroadcast v5, $0xE;
	v31 =	vtrunc.f32 v63;
	[tilespmem:v14+s15+$0x0] =	vst.idx.add.f32.msk $0xffff, v9;
	v33 =	vadd.f32 $5.440000000e+02, v17  }
0x297: {  	v9 =	vcvt.f32.s32 v31;
	v35 =	vld [tilespmem:s24+$0xFFFFFFF0];
	v10 =	vadd.s32 v1, v10;
	v37 =	vadd.f32 $5.440000000e+02, v34  }
0x298: {  	[tilespmem:v60+s15+$0x0] =	vst.idx.add.f32.msk $0xffff, v30;
	v36 =	vtrunc.f32 v33;
	v38 =	vadd.f32 v61, v3  }
0x299: {  	v9 =	vadd.s32 v1, v9;
	v39 =	vld [tilespmem:s26+$0xF0];
	v14 =	vtrunc.f32 v37;
	v13 =	vcvt.f32.s32 v36  }
0x29a: {  	v40 =	vbroadcast v12, $0xE;
	[tilespmem:v23+s15+$0x0] =	vst.idx.add.f32.msk $0xffff, v11;
	v14 =	vcvt.f32.s32 v14;
	v17 =	vadd.f32 $5.440000000e+02, v38  }
0x29b: {  	v23 =	vld [tilespmem:s25+$0xFFFFFFF0];
	v13 =	vadd.s32 v1, v13  }
0x29c: {  	[tilespmem:v10+s15+$0x0] =	vst.idx.add.f32.msk $0xffff, v40;
	v14 =	vadd.s32 v1, v14;
	v41 =	vtrunc.f32 v17  }
0x29d: {  	v43 =	vld [tilespmem:s28+$0xF0];
	v10 =	vcvt.f32.s32 v41  }
0x29e: {  	v42 =	vadd.f32 v29, v3;
	v44 =	vbroadcast v22, $0xE;
	[tilespmem:v9+s15+$0x0] =	vst.idx.add.f32.msk $0xffff, v16  }
0x29f: {  	v19 =	vadd.f32 v35, v3;
	v16 =	vld [tilespmem:s26+$0xFFFFFFF0];
	v10 =	vadd.s32 v1, v10  }
0x2a0: {  	v52 =	vbroadcast v4, $0xF;
	v11 =	vadd.f32 $5.440000000e+02, v42;
	[tilespmem:v13+s15+$0x0] =	vst.idx.add.f32.msk $0xffff, v44  }
0x2a1: {  	v46 =	vcvt.f32.s32 v47;
	v19 =	vadd.f32 $5.440000000e+02, v19;
	v45 =	vadd.f32 v39, v3;
	[tilespmem:v14+s15+$0x0] =	vst.idx.add.f32.msk $0xffff, v20  }
0x2a2: {  	v55 =	vbroadcast v5, $0xF;
	v11 =	vtrunc.f32 v11;
	v13 =	vld [tilespmem:s29+$0xF0]  }
0x2a3: {  	v50 =	vadd.f32 v23, v3;
	v19 =	vtrunc.f32 v19;
	v21 =	vadd.f32 $5.440000000e+02, v45;
	v48 =	vld [tilespmem:s28+$0xFFFFFFF0]  }
0x2a4: {  	v11 =	vcvt.f32.s32 v11;
	v9 =	vadd.s32 v1, v46;
	v47 =	vcvt.f32.s32 v19;
	[tilespmem:v10+s15+$0x0] =	vst.idx.add.f32.msk $0xffff, v28  }
0x2a5: {  	v49 =	vtrunc.f32 v21;
	v17 =	vadd.f32 v43, v3;
	v21 =	vadd.f32 $5.440000000e+02, v50;
	v54 =	vld [tilespmem:s29+$0xFFFFFFF0]  }
0x2a6: {  	v51 =	vadd.s32 v1, v11;
	v53 =	vcvt.f32.s32 v49;
	v14 =	vadd.s32 v1, v47  }
0x2a7: {  	v16 =	vadd.f32 v16, v3;
	v17 =	vadd.f32 $5.440000000e+02, v17;
	v21 =	vtrunc.f32 v21  }
0x2a8: {  	v11 =	vadd.s32 v1, v53;
	v21 =	vcvt.f32.s32 v21;
	v13 =	vadd.f32 v13, v3  }
0x2a9: {  	v16 =	vadd.f32 $5.440000000e+02, v16;
	v17 =	vtrunc.f32 v17;
	v19 =	vadd.f32 v48, v3  }
0x2aa: {  	v17 =	vcvt.f32.s32 v17;
	v13 =	vadd.f32 $5.440000000e+02, v13;
	v3 =	vadd.f32 v54, v3  }
0x2ab: {  	v16 =	vtrunc.f32 v16;
	v56 =	vadd.s32 v1, v21;
	v19 =	vadd.f32 $5.440000000e+02, v19  }
0x2ac: {  	v57 =	vcvt.f32.s32 v16;
	v13 =	vtrunc.f32 v13;
	v3 =	vadd.f32 $5.440000000e+02, v3  }
0x2ad: {  	[tilespmem:v9+s15+$0x0] =	vst.idx.add.f32.msk $0xffff, v6;
	v17 =	vadd.s32 v1, v17;
	v58 =	vtrunc.f32 v19;
	v13 =	vcvt.f32.s32 v13  }
0x2ae: {  	[tilespmem:v51+s15+$0x0] =	vst.idx.add.f32.msk $0xffff, v52;
	v10 =	vadd.s32 v1, v57;
	v60 =	vcvt.f32.s32 v58;
	v3 =	vtrunc.f32 v3  }
0x2af: {  	[tilespmem:v14+s15+$0x0] =	vst.idx.add.f32.msk $0xffff, v7;
	v59 =	vadd.s32 v1, v13;
	v3 =	vcvt.f32.s32 v3  }
0x2b0: {  	s23 =	sadd.s32 $0x1, s23;
	v61 =	vbroadcast v12, $0xF;
	[tilespmem:v11+s15+$0x0] =	vst.idx.add.f32.msk $0xffff, v55;
	v62 =	vadd.s32 v1, v60  }
0x2b1: {  	p1 =	sne.s32 s23, $0x20;
	[tilespmem:v56+s15+$0x0] =	vst.idx.add.f32.msk $0xffff, v8;
	v3 =	vadd.s32 v1, v3  }
.Ltmp7:
0x2b2: {  	v63 =	vbroadcast v22, $0xF;
	[tilespmem:v17+s15+$0x0] =	vst.idx.add.f32.msk $0xffff, v61;
	(pc) =	sbr.rel @p1 .LBB2_10-.Ltmp7, $4  }
0x2b3: {  	[tilespmem:v10+s15+$0x0] =	vst.idx.add.f32.msk $0xffff, v15  }
0x2b4: {  	[tilespmem:v59+s15+$0x0] =	vst.idx.add.f32.msk $0xffff, v63  }
0x2b5: {  	[tilespmem:v62+s15+$0x0] =	vst.idx.add.f32.msk $0xffff, v18  }
0x2b6: {  	s22 =	sadd.s32 $0x180, s22;
	s19 =	sadd.f32 $1.000000000e+00, s19;
	[tilespmem:v3+s15+$0x0] =	vst.idx.add.f32.msk $0xffff, v32  }
0x2b7: {  	s20 =	sadd.s32 $0x1, s20  }
0x2b8: {  	p1 =	seq.s32 s20, $0xC  }
.Ltmp8:
0x2b9: {  	_ = 	snop;
	(pc) =	sbr.rel @!p1 .LBB2_7-.Ltmp8, $1  }
0x2ba: {  	_ =	sdelay $0x3  }
0x2bb: {  	s1 =	simm.s32 $0x0;
	s18 =	simm.s32 $0xA980;
	v2 =	vld [tilespmem:$0xA900];
	s11 =	simm.s32 $0xA900  }
.LBB2_15:
0x2bc: {  	v4 =	vmov s18;
	_ =	sdelay $0x3  }
0x2bd: {  	s0 =	simm.s32 $0x0  }
0x2be: {  	v3 =	vimm.f32 $0.0e+00;
	s19 =	simm.s32 $0x40;
	v5 =	vld.idx.msk [tilespmem:v4+s0+$0x0 ss:$0x1], $0xffff  }
.LBB2_16:
0x2bf: {  	p1 =	sne.s32 s19, $0x10C0  }
.Ltmp9:
0x2c0: {  	_ = 	snop;
	(pc) =	sbr.rel @p1 .LBB2_16-.Ltmp9, $4  }
0x2c1: {  	_ = 	snop  }
0x2c2: {  	s0 =	sshra.s32 s19, $0x2;
	s19 =	sadd.s32 $0x40, s19  }
0x2c3: {  	v6 =	vand.u32 $0x7FFFFFFF, v5;
	v5 =	vld.idx.msk [tilespmem:v4+s0+$0x0 ss:$0x1], $0xffff  }
0x2c4: {  	v3 =	vadd.f32 v6, v3  }
0x2c5: {  	_ =	sdelay $0x2  }
0x2c6: {  	s0 =	sadd.s32 s5, s1;
	v4 =	vand.u32 $0x7FFFFFFF, v5  }
0x2c7: {  	s1 =	sadd.s32 $0x1, s1;
	p1 =	slt.u32 s0, $0xB4;
	s0 =	simm.f32 $1.000000000e+00;
	v3 =	vadd.f32 v4, v3  }
0x2c8: {  	s0 =	simm.s32 @!p1 $0x0;
	p1 =	sne.s32 s1, $0x10  }
.Ltmp10:
0x2c9: {  	v3 =	vmul.f32 s0, v3;
	(pc) =	sbr.rel @p1 .LBB2_15-.Ltmp10, $4  }
.Ltmp11:
0x2ca: {  	_ = 	snop;
	(pc) =	sbr.rel @!p1 .LBB2_18-.Ltmp11, $4  }
0x2cb: {  	v2 =	vadd.f32 v2, v3  }
0x2cc: {  	_ = 	snop  }
0x2cd: {  	s18 =	sadd.s32 $0x440, s18;
	[tilespmem:$0xA900] =	vst v2  }
0x2ce: {  	_ = 	snop  }
.LBB2_19:
0x2cf: {  	_ =	sfence.sel $0x180000  }
0x2d0: {  	[bflag:$0x0] =	sbarrier.arrive $0xFFFF  }
0x2d1: {  	_ =	strace $0x90000047  }
0x2d2: {  	s0 =	stileid.u32;
	[bflag:$0x2] =	sbarrier.arrive $0xFFFF  }
0x2d3: {  	p0 =	sne.s32 s0, $0x0;
	s0 =	rddreg [dreg:$0x1]  }
0x2d4: {  	s0 =	sadd.s32 @!p0 $0x100000, s0  }
0x2d5: {  	[sflag:s0] =	ssyncadd.tile.s32 @!p0 $0x1;
	_ =	shalt  }
.Lfunc_end2:
_tile_overlayer_lowered:
.L_overlay_start_2:
0x2d6: {  	(tag) =	ssettag $0x2  }
0x2d7: {  	s0 =	rddreg [dreg:$0x0];
	s2 =	stileid.u32  }
0x2d8: {  	s1 =	rddreg [dreg:$0x1];
	p0 =	sne.s32 s2, $0x0  }
0x2d9: {  	s3 =	rddreg [dreg:$0x2];
	[bflag:$0x3] =	sbarrier.arrive $0xFFFF;
	s2 =	simm.s32 @!p0 $0x1C01  }
0x2da: {  	[timem:s3], [sflag:s2] =	dma.local @!p0 [hbm:s0], s1  }
0x2db: {  	s0 =	simm.s32 @!p0 $0x1  }
0x2dc: {  	_ =	swait.ge @!p0 [sflag:s0], s1  }
0x2dd: {  	s1 =	ssub.s32 @!p0 $0x0, s1;
	[sflag:s0] =	ssyncset.done @!p0 $0x0  }
0x2de: {  	[sflag:s0] =	ssyncadd.s32 @!p0 s1  }
0x2df: {  	[bflag:$0x3] =	sbarrier.arrive $0xFFFF  }
0x2e0: {  	_ =	shalt  }

</sc_bundles>
